<compile_context>
chip_gen: v7x
topology: tpu7x:2x2x1
jax: 0.10.2.dev20260603
libtpu: 0.0.44.dev20260713+nightly
codegen_flags: <defaults>
</compile_context>

<pallas_src>
import functools

import jax
import jax.numpy as jnp
import numpy as np
from jax import lax
from jax.experimental import pallas as pl
from jax.experimental.pallas import tpu as pltpu
from jax.experimental.pallas import tpu_sc as plsc

INPUT_DIM = 100000
OUTPUT_DIM = 64
BATCH = 4096
SEQ = 200
HALF = SEQ // 2
SCALE = float(np.sqrt(np.float32(OUTPUT_DIM)))


def _pos_encoding(position, d_model):
    i = np.arange(d_model)[np.newaxis, :]
    angle_rates = 1 / np.power(10000, 2 * (i // 2) / np.float32(d_model))
    angle_rads = np.arange(position)[:, np.newaxis] * angle_rates
    angle_rads[:, 0::2] = np.sin(angle_rads[:, 0::2])
    angle_rads[:, 1::2] = np.cos(angle_rads[:, 1::2])
    return np.asarray(angle_rads, dtype=np.float32)


_POS = _pos_encoding(SEQ, OUTPUT_DIM)


@functools.cache
def _build_kernel(nc, ns):
    nw = nc * ns
    total_rows = BATCH * SEQ
    rows_per_w = total_rows // nw
    seqs_per_w = rows_per_w // SEQ
    chunks_per_w = rows_per_w // HALF

    mesh = plsc.VectorSubcoreMesh(
        core_axis_name="c", subcore_axis_name="s",
        num_cores=nc, num_subcores=ns)

    @functools.partial(
        pl.kernel,
        out_type=jax.ShapeDtypeStruct((BATCH, SEQ, OUTPUT_DIM), jnp.float32),
        mesh=mesh,
        scratch_types=[
            pltpu.VMEM((chunks_per_w, HALF), jnp.int32),
            pltpu.VMEM((SEQ, OUTPUT_DIM), jnp.float32),
            pltpu.VMEM((SEQ, OUTPUT_DIM), jnp.float32),
            pltpu.SemaphoreType.DMA,
        ],
        compiler_params=pltpu.CompilerParams(use_tc_tiling_on_sc=False),
    )
    def emb_kernel(idx_hbm, table_hbm, pos_hbm, out_hbm, idx_v, pos_v,
                   g0, gsem0):
        wid = lax.axis_index("s") * nc + lax.axis_index("c")
        pltpu.sync_copy(idx_hbm.at[wid], idx_v)
        pltpu.sync_copy(pos_hbm, pos_v)
        base = wid * seqs_per_w

        def body(si, carry):
            gb, gsem = g0, gsem0
            cp0 = pltpu.async_copy(
                table_hbm.at[idx_v.at[2 * si]], gb.at[pl.ds(0, HALF)], gsem)
            cp1 = pltpu.async_copy(
                table_hbm.at[idx_v.at[2 * si + 1]],
                gb.at[pl.ds(HALF, HALF)], gsem)
            cp0.wait()
            cp1.wait()

            def row_body(r, c2):
                for c in range(OUTPUT_DIM // 16):
                    sl = pl.ds(c * 16, 16)
                    gb[r, sl] = gb[r, sl] * SCALE + pos_v[r, sl]
                return c2
            lax.fori_loop(0, SEQ, row_body, 0, unroll=4)

            pltpu.sync_copy(gb, out_hbm.at[base + si])
            return carry

        lax.fori_loop(0, seqs_per_w, body, 0)

    return emb_kernel


def kernel(x, table):
    info = plsc.get_sparse_core_info()
    nc, ns = info.num_cores, info.num_subcores
    nw = nc * ns
    idx = x.reshape(nw, (BATCH * SEQ) // nw // HALF, HALF)
    pos = jnp.asarray(_POS)
    return _build_kernel(nc, ns)(idx, table, pos)

# --- scband reference (transcript-rebuilt; emitter-appended) ---
"""Pipeline reference for scband-embedding-layer-35862976922303 (READ-ONLY COPY).

The authoritative reference and input builder live on the scoring server;
editing this copy changes nothing except your own understanding.
"""

import jax, jax.numpy as jnp
import numpy as np

INPUT_DIM = 100000
OUTPUT_DIM = 64
BATCH = 4096
SEQ = 200

def get_angles(pos, i, d_model):
    angle_rates = 1 / np.power(10000, 2 * (i // 2) / np.float32(d_model))
    return pos * angle_rates

def positional_encoding(position, d_model):
    angle_rads = get_angles(np.arange(position)[:, np.newaxis], np.arange(d_model)[np.newaxis, :], d_model)
    angle_rads[:, 0::2] = np.sin(angle_rads[:, 0::2])
    angle_rads[:, 1::2] = np.cos(angle_rads[:, 1::2])
    pos_encoding = angle_rads[np.newaxis, ...]
    return jnp.asarray(pos_encoding, dtype=jnp.float32)

POS_ENCODING = positional_encoding(INPUT_DIM, OUTPUT_DIM)

def setup_inputs(seed: int = 0) -> dict:
    key = jax.random.key(seed)
    k1, k2 = jax.random.split(key)
    x = jax.random.randint(k1, (BATCH, SEQ), 0, INPUT_DIM, dtype=jnp.int32)
    # Keras Embedding default init is uniform(-0.05, 0.05)
    table = jax.random.uniform(k2, (INPUT_DIM, OUTPUT_DIM), dtype=jnp.float32, minval=-0.05, maxval=0.05)
    return {"x": x, "table": table}

def reference(x, table):
    seq_len = x.shape[1]
    emb = jnp.take(table, x, axis=0)
    emb = emb * jnp.sqrt(jnp.asarray(OUTPUT_DIM, dtype=jnp.float32))
    return emb + POS_ENCODING[:, :seq_len, :]

if __name__ == "__main__":
    import jax
    _d = setup_inputs()
    print(jax.jit(kernel)(*tuple(_d.values())))

</pallas_src>

<mosaic_0001>
#map = affine_map<(d0, d1) -> (0, 0, 0)>
#map1 = affine_map<(d0, d1) -> (0, 0)>
module attributes {stable_mosaic.version = 14 : i64} {
  func.func @emb_kernel(%arg0: i32, %arg1: i32, %arg2: memref<32x256x100xi32, #tpu.memory_space<hbm>>, %arg3: memref<100000x64xf32, #tpu.memory_space<hbm>>, %arg4: memref<200x64xf32, #tpu.memory_space<hbm>>, %arg5: memref<4096x200x64xf32, #tpu.memory_space<hbm>>, %arg6: memref<256x100xi32, #tpu.memory_space<vmem>>, %arg7: memref<200x64xf32, #tpu.memory_space<vmem>>, %arg8: memref<200x64xf32, #tpu.memory_space<vmem>>, %arg9: memref<!tpu.dma_semaphore, #tpu.memory_space<semaphore_mem>>) attributes {dimension_semantics = [#tpu.dimension_semantics<core_parallel>, #tpu.dimension_semantics<subcore_parallel>], iteration_bounds = array<i64: 2, 16>, scalar_prefetch = 0 : i64, scratch_operands = 4 : i64, tpu.core_type = #tpu.core_type<sc_vector_subcore>, window_params = [{transform_indices = #map}, {transform_indices = #map1}, {transform_indices = #map1}, {transform_indices = #map}]} {
    %mul3A = arith.constant 2 : i32
    %mul3A_0 = arith.muli %arg1, %mul3A : i32
    %add3A = arith.addi %mul3A_0, %arg0 : i32
    "tpu.region"() ({
      %run_scoped3A = tpu.sem_alloc : memref<!tpu.dma_semaphore, #tpu.memory_space<semaphore_mem>>
      %dma_start3A = arith.constant 0 : i32
      %dma_start3A_8 = arith.constant 0 : i32
      %dma_start3A_9 = tpu.memref_slice %arg2[%add3A, %dma_start3A, %dma_start3A_8] : memref<32x256x100xi32, #tpu.memory_space<hbm>> -> memref<1x256x100xi32, #tpu.memory_space<hbm>>
      %dma_start3A_10 = tpu.memref_squeeze %dma_start3A_9 : memref<1x256x100xi32, #tpu.memory_space<hbm>> -> memref<256x100xi32, #tpu.memory_space<hbm>>
      %dma_start3A_11 = arith.constant 0 : i32
      %dma_start3A_12 = arith.constant 0 : i32
      %dma_start3A_13 = tpu.memref_slice %arg2[%add3A, %dma_start3A_11, %dma_start3A_12] : memref<32x256x100xi32, #tpu.memory_space<hbm>> -> memref<1x256x100xi32, #tpu.memory_space<hbm>>
      %dma_start3A_14 = tpu.memref_squeeze %dma_start3A_13 : memref<1x256x100xi32, #tpu.memory_space<hbm>> -> memref<256x100xi32, #tpu.memory_space<hbm>>
      tpu.enqueue_dma source(%dma_start3A_14 : memref<256x100xi32, #tpu.memory_space<hbm>>) target(%arg6 : memref<256x100xi32, #tpu.memory_space<vmem>>) target_semaphore(%run_scoped3A : memref<!tpu.dma_semaphore, #tpu.memory_space<semaphore_mem>>)
      %dma_wait3A = arith.constant 0 : i32
      %dma_wait3A_15 = arith.constant 0 : i32
      %dma_wait3A_16 = tpu.memref_slice %arg2[%add3A, %dma_wait3A, %dma_wait3A_15] : memref<32x256x100xi32, #tpu.memory_space<hbm>> -> memref<1x256x100xi32, #tpu.memory_space<hbm>>
      %dma_wait3A_17 = tpu.memref_squeeze %dma_wait3A_16 : memref<1x256x100xi32, #tpu.memory_space<hbm>> -> memref<256x100xi32, #tpu.memory_space<hbm>>
      %dma_wait3A_18 = arith.constant 0 : i32
      %dma_wait3A_19 = arith.constant 0 : i32
      %dma_wait3A_20 = tpu.memref_slice %arg2[%add3A, %dma_wait3A_18, %dma_wait3A_19] : memref<32x256x100xi32, #tpu.memory_space<hbm>> -> memref<1x256x100xi32, #tpu.memory_space<hbm>>
      %dma_wait3A_21 = tpu.memref_squeeze %dma_wait3A_20 : memref<1x256x100xi32, #tpu.memory_space<hbm>> -> memref<256x100xi32, #tpu.memory_space<hbm>>
      tpu.wait_dma2 semaphore(%run_scoped3A : memref<!tpu.dma_semaphore, #tpu.memory_space<semaphore_mem>>) src(%dma_wait3A_21 : memref<256x100xi32, #tpu.memory_space<hbm>>) dst(%arg6 : memref<256x100xi32, #tpu.memory_space<vmem>>)
      tpu.yield
    }) : () -> ()
    "tpu.region"() ({
      %run_scoped3A = tpu.sem_alloc : memref<!tpu.dma_semaphore, #tpu.memory_space<semaphore_mem>>
      tpu.enqueue_dma source(%arg4 : memref<200x64xf32, #tpu.memory_space<hbm>>) target(%arg7 : memref<200x64xf32, #tpu.memory_space<vmem>>) target_semaphore(%run_scoped3A : memref<!tpu.dma_semaphore, #tpu.memory_space<semaphore_mem>>)
      tpu.wait_dma2 semaphore(%run_scoped3A : memref<!tpu.dma_semaphore, #tpu.memory_space<semaphore_mem>>) src(%arg4 : memref<200x64xf32, #tpu.memory_space<hbm>>) dst(%arg7 : memref<200x64xf32, #tpu.memory_space<vmem>>)
      tpu.yield
    }) : () -> ()
    %mul3A_1 = arith.constant 128 : i32
    %mul3A_2 = arith.muli %add3A, %mul3A_1 : i32
    %scan3A = arith.constant 0 : i32
    %scan3A_3 = arith.constant 0 : i32
    %scan3A_4 = arith.constant 128 : i32
    %scan3A_5 = arith.addi %scan3A_3, %scan3A_4 : i32
    %scan3A_6 = arith.constant 1 : i32
    scf.for %scan3A_8 = %scan3A_3 to %scan3A_5 step %scan3A_6  : i32 {
      %mul3A_9 = arith.constant 2 : i32
      %mul3A_10 = arith.muli %mul3A_9, %scan3A_8 : i32
      %dma_start3A = arith.constant 0 : i32
      %dma_start3A_11 = arith.constant 0 : i32
      %dma_start3A_12 = tpu.memref_slice %arg8[%dma_start3A, %dma_start3A_11] : memref<200x64xf32, #tpu.memory_space<vmem>> -> memref<100x64xf32, #tpu.memory_space<vmem>>
      %dma_start3A_13 = arith.constant 0 : i32
      %dma_start3A_14 = tpu.memref_slice %arg6[%mul3A_10, %dma_start3A_13] : memref<256x100xi32, #tpu.memory_space<vmem>> -> memref<1x100xi32, #tpu.memory_space<vmem>>
      %dma_start3A_15 = tpu.memref_squeeze %dma_start3A_14 : memref<1x100xi32, #tpu.memory_space<vmem>> -> memref<100xi32, #tpu.memory_space<vmem>>
      %dma_start3A_16 = arith.constant 0 : i32
      %dma_start3A_17 = arith.constant 0 : i32
      %dma_start3A_18 = tpu.memref_slice %arg3[%dma_start3A_16, %dma_start3A_17] : memref<100000x64xf32, #tpu.memory_space<hbm>> -> memref<100000x64xf32, #tpu.memory_space<hbm>>
      tpu.enqueue_indirect_dma source(%dma_start3A_18 : memref<100000x64xf32, #tpu.memory_space<hbm>>) target(%dma_start3A_12 : memref<100x64xf32, #tpu.memory_space<vmem>>) offsets(%dma_start3A_15 : memref<100xi32, #tpu.memory_space<vmem>>) semaphore(%arg9 : memref<!tpu.dma_semaphore, #tpu.memory_space<semaphore_mem>>)
      %mul3A_19 = arith.constant 2 : i32
      %mul3A_20 = arith.muli %mul3A_19, %scan3A_8 : i32
      %add3A_21 = arith.constant 1 : i32
      %add3A_22 = arith.addi %mul3A_20, %add3A_21 : i32
      %dma_start3A_23 = arith.constant 100 : i32
      %dma_start3A_24 = arith.constant 0 : i32
      %dma_start3A_25 = tpu.memref_slice %arg8[%dma_start3A_23, %dma_start3A_24] : memref<200x64xf32, #tpu.memory_space<vmem>> -> memref<100x64xf32, #tpu.memory_space<vmem>>
      %dma_start3A_26 = arith.constant 0 : i32
      %dma_start3A_27 = tpu.memref_slice %arg6[%add3A_22, %dma_start3A_26] : memref<256x100xi32, #tpu.memory_space<vmem>> -> memref<1x100xi32, #tpu.memory_space<vmem>>
      %dma_start3A_28 = tpu.memref_squeeze %dma_start3A_27 : memref<1x100xi32, #tpu.memory_space<vmem>> -> memref<100xi32, #tpu.memory_space<vmem>>
      %dma_start3A_29 = arith.constant 0 : i32
      %dma_start3A_30 = arith.constant 0 : i32
      %dma_start3A_31 = tpu.memref_slice %arg3[%dma_start3A_29, %dma_start3A_30] : memref<100000x64xf32, #tpu.memory_space<hbm>> -> memref<100000x64xf32, #tpu.memory_space<hbm>>
      tpu.enqueue_indirect_dma source(%dma_start3A_31 : memref<100000x64xf32, #tpu.memory_space<hbm>>) target(%dma_start3A_25 : memref<100x64xf32, #tpu.memory_space<vmem>>) offsets(%dma_start3A_28 : memref<100xi32, #tpu.memory_space<vmem>>) semaphore(%arg9 : memref<!tpu.dma_semaphore, #tpu.memory_space<semaphore_mem>>)
      %dma_wait3A = arith.constant 0 : i32
      %dma_wait3A_32 = arith.constant 0 : i32
      %dma_wait3A_33 = tpu.memref_slice %arg8[%dma_wait3A, %dma_wait3A_32] : memref<200x64xf32, #tpu.memory_space<vmem>> -> memref<100x64xf32, #tpu.memory_space<vmem>>
      %dma_wait3A_34 = arith.constant 0 : i32
      %dma_wait3A_35 = tpu.memref_slice %arg6[%mul3A_10, %dma_wait3A_34] : memref<256x100xi32, #tpu.memory_space<vmem>> -> memref<1x100xi32, #tpu.memory_space<vmem>>
      %dma_wait3A_36 = tpu.memref_squeeze %dma_wait3A_35 : memref<1x100xi32, #tpu.memory_space<vmem>> -> memref<100xi32, #tpu.memory_space<vmem>>
      %dma_wait3A_37 = arith.constant 0 : i32
      %dma_wait3A_38 = arith.constant 0 : i32
      %dma_wait3A_39 = tpu.memref_slice %arg3[%dma_wait3A_37, %dma_wait3A_38] : memref<100000x64xf32, #tpu.memory_space<hbm>> -> memref<100000x64xf32, #tpu.memory_space<hbm>>
      tpu.wait_indirect_dma semaphore(%arg9 : memref<!tpu.dma_semaphore, #tpu.memory_space<semaphore_mem>>) src(%dma_wait3A_39 : memref<100000x64xf32, #tpu.memory_space<hbm>>) dst(%dma_wait3A_33 : memref<100x64xf32, #tpu.memory_space<vmem>>)
      %dma_wait3A_40 = arith.constant 100 : i32
      %dma_wait3A_41 = arith.constant 0 : i32
      %dma_wait3A_42 = tpu.memref_slice %arg8[%dma_wait3A_40, %dma_wait3A_41] : memref<200x64xf32, #tpu.memory_space<vmem>> -> memref<100x64xf32, #tpu.memory_space<vmem>>
      %dma_wait3A_43 = arith.constant 0 : i32
      %dma_wait3A_44 = tpu.memref_slice %arg6[%add3A_22, %dma_wait3A_43] : memref<256x100xi32, #tpu.memory_space<vmem>> -> memref<1x100xi32, #tpu.memory_space<vmem>>
      %dma_wait3A_45 = tpu.memref_squeeze %dma_wait3A_44 : memref<1x100xi32, #tpu.memory_space<vmem>> -> memref<100xi32, #tpu.memory_space<vmem>>
      %dma_wait3A_46 = arith.constant 0 : i32
      %dma_wait3A_47 = arith.constant 0 : i32
      %dma_wait3A_48 = tpu.memref_slice %arg3[%dma_wait3A_46, %dma_wait3A_47] : memref<100000x64xf32, #tpu.memory_space<hbm>> -> memref<100000x64xf32, #tpu.memory_space<hbm>>
      tpu.wait_indirect_dma semaphore(%arg9 : memref<!tpu.dma_semaphore, #tpu.memory_space<semaphore_mem>>) src(%dma_wait3A_48 : memref<100000x64xf32, #tpu.memory_space<hbm>>) dst(%dma_wait3A_42 : memref<100x64xf32, #tpu.memory_space<vmem>>)
      %scan3A_49 = arith.constant 0 : i32
      %scan3A_50 = arith.constant 0 : i32
      %scan3A_51 = arith.constant 200 : i32
      %scan3A_52 = arith.addi %scan3A_50, %scan3A_51 : i32
      %scan3A_53 = arith.constant 4 : i32
      scf.for %scan3A_56 = %scan3A_50 to %scan3A_52 step %scan3A_53  : i32 {
        %get3A = arith.index_cast %scan3A_56 : i32 to index
        %get3A_57 = arith.constant 0 : index
        %get3A_58 = tpu.vector_load %arg8[%get3A, %get3A_57] {strides = array<i32>} : memref<200x64xf32, #tpu.memory_space<vmem>>, vector<1x16xf32>,
        %get3A_59 = vector.shape_cast %get3A_58 : vector<1x16xf32> to vector<16xf32>
        %mul3A_60 = arith.constant 8.000000e+00 : f32
        %mul3A_61 = vector.broadcast %mul3A_60 : f32 to vector<16xf32>
        %mul3A_62 = arith.mulf %get3A_59, %mul3A_61 : vector<16xf32>
        %get3A_63 = arith.index_cast %scan3A_56 : i32 to index
        %get3A_64 = arith.constant 0 : index
        %get3A_65 = tpu.vector_load %arg7[%get3A_63, %get3A_64] {strides = array<i32>} : memref<200x64xf32, #tpu.memory_space<vmem>>, vector<1x16xf32>,
        %get3A_66 = vector.shape_cast %get3A_65 : vector<1x16xf32> to vector<16xf32>
        %add3A_67 = arith.addf %mul3A_62, %get3A_66 : vector<16xf32>
        %swap3A = arith.index_cast %scan3A_56 : i32 to index
        %swap3A_68 = arith.constant 0 : index
        %swap3A_69 = tpu.vector_load %arg8[%swap3A, %swap3A_68] {strides = array<i32>} : memref<200x64xf32, #tpu.memory_space<vmem>>, vector<1x16xf32>,
        %swap3A_70 = vector.shape_cast %swap3A_69 : vector<1x16xf32> to vector<16xf32>
        %swap3A_71 = vector.shape_cast %add3A_67 : vector<16xf32> to vector<1x16xf32>
        tpu.vector_store %arg8[%swap3A, %swap3A_68], %swap3A_71 {strides = array<i32>} : memref<200x64xf32, #tpu.memory_space<vmem>>, vector<1x16xf32>,
        %get3A_72 = arith.index_cast %scan3A_56 : i32 to index
        %get3A_73 = arith.constant 16 : index
        %get3A_74 = tpu.vector_load %arg8[%get3A_72, %get3A_73] {strides = array<i32>} : memref<200x64xf32, #tpu.memory_space<vmem>>, vector<1x16xf32>,
        %get3A_75 = vector.shape_cast %get3A_74 : vector<1x16xf32> to vector<16xf32>
        %mul3A_76 = arith.constant 8.000000e+00 : f32
        %mul3A_77 = vector.broadcast %mul3A_76 : f32 to vector<16xf32>
        %mul3A_78 = arith.mulf %get3A_75, %mul3A_77 : vector<16xf32>
        %get3A_79 = arith.index_cast %scan3A_56 : i32 to index
        %get3A_80 = arith.constant 16 : index
        %get3A_81 = tpu.vector_load %arg7[%get3A_79, %get3A_80] {strides = array<i32>} : memref<200x64xf32, #tpu.memory_space<vmem>>, vector<1x16xf32>,
        %get3A_82 = vector.shape_cast %get3A_81 : vector<1x16xf32> to vector<16xf32>
        %add3A_83 = arith.addf %mul3A_78, %get3A_82 : vector<16xf32>
        %swap3A_84 = arith.index_cast %scan3A_56 : i32 to index
        %swap3A_85 = arith.constant 16 : index
        %swap3A_86 = tpu.vector_load %arg8[%swap3A_84, %swap3A_85] {strides = array<i32>} : memref<200x64xf32, #tpu.memory_space<vmem>>, vector<1x16xf32>,
        %swap3A_87 = vector.shape_cast %swap3A_86 : vector<1x16xf32> to vector<16xf32>
        %swap3A_88 = vector.shape_cast %add3A_83 : vector<16xf32> to vector<1x16xf32>
        tpu.vector_store %arg8[%swap3A_84, %swap3A_85], %swap3A_88 {strides = array<i32>} : memref<200x64xf32, #tpu.memory_space<vmem>>, vector<1x16xf32>,
        %get3A_89 = arith.index_cast %scan3A_56 : i32 to index
        %get3A_90 = arith.constant 32 : index
        %get3A_91 = tpu.vector_load %arg8[%get3A_89, %get3A_90] {strides = array<i32>} : memref<200x64xf32, #tpu.memory_space<vmem>>, vector<1x16xf32>,
        %get3A_92 = vector.shape_cast %get3A_91 : vector<1x16xf32> to vector<16xf32>
        %mul3A_93 = arith.constant 8.000000e+00 : f32
        %mul3A_94 = vector.broadcast %mul3A_93 : f32 to vector<16xf32>
        %mul3A_95 = arith.mulf %get3A_92, %mul3A_94 : vector<16xf32>
        %get3A_96 = arith.index_cast %scan3A_56 : i32 to index
        %get3A_97 = arith.constant 32 : index
        %get3A_98 = tpu.vector_load %arg7[%get3A_96, %get3A_97] {strides = array<i32>} : memref<200x64xf32, #tpu.memory_space<vmem>>, vector<1x16xf32>,
        %get3A_99 = vector.shape_cast %get3A_98 : vector<1x16xf32> to vector<16xf32>
        %add3A_100 = arith.addf %mul3A_95, %get3A_99 : vector<16xf32>
        %swap3A_101 = arith.index_cast %scan3A_56 : i32 to index
        %swap3A_102 = arith.constant 32 : index
        %swap3A_103 = tpu.vector_load %arg8[%swap3A_101, %swap3A_102] {strides = array<i32>} : memref<200x64xf32, #tpu.memory_space<vmem>>, vector<1x16xf32>,
        %swap3A_104 = vector.shape_cast %swap3A_103 : vector<1x16xf32> to vector<16xf32>
        %swap3A_105 = vector.shape_cast %add3A_100 : vector<16xf32> to vector<1x16xf32>
        tpu.vector_store %arg8[%swap3A_101, %swap3A_102], %swap3A_105 {strides = array<i32>} : memref<200x64xf32, #tpu.memory_space<vmem>>, vector<1x16xf32>,
        %get3A_106 = arith.index_cast %scan3A_56 : i32 to index
        %get3A_107 = arith.constant 48 : index
        %get3A_108 = tpu.vector_load %arg8[%get3A_106, %get3A_107] {strides = array<i32>} : memref<200x64xf32, #tpu.memory_space<vmem>>, vector<1x16xf32>,
        %get3A_109 = vector.shape_cast %get3A_108 : vector<1x16xf32> to vector<16xf32>
        %mul3A_110 = arith.constant 8.000000e+00 : f32
        %mul3A_111 = vector.broadcast %mul3A_110 : f32 to vector<16xf32>
        %mul3A_112 = arith.mulf %get3A_109, %mul3A_111 : vector<16xf32>
        %get3A_113 = arith.index_cast %scan3A_56 : i32 to index
        %get3A_114 = arith.constant 48 : index
        %get3A_115 = tpu.vector_load %arg7[%get3A_113, %get3A_114] {strides = array<i32>} : memref<200x64xf32, #tpu.memory_space<vmem>>, vector<1x16xf32>,
        %get3A_116 = vector.shape_cast %get3A_115 : vector<1x16xf32> to vector<16xf32>
        %add3A_117 = arith.addf %mul3A_112, %get3A_116 : vector<16xf32>
        %swap3A_118 = arith.index_cast %scan3A_56 : i32 to index
        %swap3A_119 = arith.constant 48 : index
        %swap3A_120 = tpu.vector_load %arg8[%swap3A_118, %swap3A_119] {strides = array<i32>} : memref<200x64xf32, #tpu.memory_space<vmem>>, vector<1x16xf32>,
        %swap3A_121 = vector.shape_cast %swap3A_120 : vector<1x16xf32> to vector<16xf32>
        %swap3A_122 = vector.shape_cast %add3A_117 : vector<16xf32> to vector<1x16xf32>
        tpu.vector_store %arg8[%swap3A_118, %swap3A_119], %swap3A_122 {strides = array<i32>} : memref<200x64xf32, #tpu.memory_space<vmem>>, vector<1x16xf32>,
        %scan3A_123 = arith.constant 1 : i32
        %scan3A_124 = arith.addi %scan3A_56, %scan3A_123 : i32
        %get3A_125 = arith.index_cast %scan3A_124 : i32 to index
        %get3A_126 = arith.constant 0 : index
        %get3A_127 = tpu.vector_load %arg8[%get3A_125, %get3A_126] {strides = array<i32>} : memref<200x64xf32, #tpu.memory_space<vmem>>, vector<1x16xf32>,
        %get3A_128 = vector.shape_cast %get3A_127 : vector<1x16xf32> to vector<16xf32>
        %mul3A_129 = arith.constant 8.000000e+00 : f32
        %mul3A_130 = vector.broadcast %mul3A_129 : f32 to vector<16xf32>
        %mul3A_131 = arith.mulf %get3A_128, %mul3A_130 : vector<16xf32>
        %get3A_132 = arith.index_cast %scan3A_124 : i32 to index
        %get3A_133 = arith.constant 0 : index
        %get3A_134 = tpu.vector_load %arg7[%get3A_132, %get3A_133] {strides = array<i32>} : memref<200x64xf32, #tpu.memory_space<vmem>>, vector<1x16xf32>,
        %get3A_135 = vector.shape_cast %get3A_134 : vector<1x16xf32> to vector<16xf32>
        %add3A_136 = arith.addf %mul3A_131, %get3A_135 : vector<16xf32>
        %swap3A_137 = arith.index_cast %scan3A_124 : i32 to index
        %swap3A_138 = arith.constant 0 : index
        %swap3A_139 = tpu.vector_load %arg8[%swap3A_137, %swap3A_138] {strides = array<i32>} : memref<200x64xf32, #tpu.memory_space<vmem>>, vector<1x16xf32>,
        %swap3A_140 = vector.shape_cast %swap3A_139 : vector<1x16xf32> to vector<16xf32>
        %swap3A_141 = vector.shape_cast %add3A_136 : vector<16xf32> to vector<1x16xf32>
        tpu.vector_store %arg8[%swap3A_137, %swap3A_138], %swap3A_141 {strides = array<i32>} : memref<200x64xf32, #tpu.memory_space<vmem>>, vector<1x16xf32>,
        %get3A_142 = arith.index_cast %scan3A_124 : i32 to index
        %get3A_143 = arith.constant 16 : index
        %get3A_144 = tpu.vector_load %arg8[%get3A_142, %get3A_143] {strides = array<i32>} : memref<200x64xf32, #tpu.memory_space<vmem>>, vector<1x16xf32>,
        %get3A_145 = vector.shape_cast %get3A_144 : vector<1x16xf32> to vector<16xf32>
        %mul3A_146 = arith.constant 8.000000e+00 : f32
        %mul3A_147 = vector.broadcast %mul3A_146 : f32 to vector<16xf32>
        %mul3A_148 = arith.mulf %get3A_145, %mul3A_147 : vector<16xf32>
        %get3A_149 = arith.index_cast %scan3A_124 : i32 to index
        %get3A_150 = arith.constant 16 : index
        %get3A_151 = tpu.vector_load %arg7[%get3A_149, %get3A_150] {strides = array<i32>} : memref<200x64xf32, #tpu.memory_space<vmem>>, vector<1x16xf32>,
        %get3A_152 = vector.shape_cast %get3A_151 : vector<1x16xf32> to vector<16xf32>
        %add3A_153 = arith.addf %mul3A_148, %get3A_152 : vector<16xf32>
        %swap3A_154 = arith.index_cast %scan3A_124 : i32 to index
        %swap3A_155 = arith.constant 16 : index
        %swap3A_156 = tpu.vector_load %arg8[%swap3A_154, %swap3A_155] {strides = array<i32>} : memref<200x64xf32, #tpu.memory_space<vmem>>, vector<1x16xf32>,
        %swap3A_157 = vector.shape_cast %swap3A_156 : vector<1x16xf32> to vector<16xf32>
        %swap3A_158 = vector.shape_cast %add3A_153 : vector<16xf32> to vector<1x16xf32>
        tpu.vector_store %arg8[%swap3A_154, %swap3A_155], %swap3A_158 {strides = array<i32>} : memref<200x64xf32, #tpu.memory_space<vmem>>, vector<1x16xf32>,
        %get3A_159 = arith.index_cast %scan3A_124 : i32 to index
        %get3A_160 = arith.constant 32 : index
        %get3A_161 = tpu.vector_load %arg8[%get3A_159, %get3A_160] {strides = array<i32>} : memref<200x64xf32, #tpu.memory_space<vmem>>, vector<1x16xf32>,
        %get3A_162 = vector.shape_cast %get3A_161 : vector<1x16xf32> to vector<16xf32>
        %mul3A_163 = arith.constant 8.000000e+00 : f32
        %mul3A_164 = vector.broadcast %mul3A_163 : f32 to vector<16xf32>
        %mul3A_165 = arith.mulf %get3A_162, %mul3A_164 : vector<16xf32>
        %get3A_166 = arith.index_cast %scan3A_124 : i32 to index
        %get3A_167 = arith.constant 32 : index
        %get3A_168 = tpu.vector_load %arg7[%get3A_166, %get3A_167] {strides = array<i32>} : memref<200x64xf32, #tpu.memory_space<vmem>>, vector<1x16xf32>,
        %get3A_169 = vector.shape_cast %get3A_168 : vector<1x16xf32> to vector<16xf32>
        %add3A_170 = arith.addf %mul3A_165, %get3A_169 : vector<16xf32>
        %swap3A_171 = arith.index_cast %scan3A_124 : i32 to index
        %swap3A_172 = arith.constant 32 : index
        %swap3A_173 = tpu.vector_load %arg8[%swap3A_171, %swap3A_172] {strides = array<i32>} : memref<200x64xf32, #tpu.memory_space<vmem>>, vector<1x16xf32>,
        %swap3A_174 = vector.shape_cast %swap3A_173 : vector<1x16xf32> to vector<16xf32>
        %swap3A_175 = vector.shape_cast %add3A_170 : vector<16xf32> to vector<1x16xf32>
        tpu.vector_store %arg8[%swap3A_171, %swap3A_172], %swap3A_175 {strides = array<i32>} : memref<200x64xf32, #tpu.memory_space<vmem>>, vector<1x16xf32>,
        %get3A_176 = arith.index_cast %scan3A_124 : i32 to index
        %get3A_177 = arith.constant 48 : index
        %get3A_178 = tpu.vector_load %arg8[%get3A_176, %get3A_177] {strides = array<i32>} : memref<200x64xf32, #tpu.memory_space<vmem>>, vector<1x16xf32>,
        %get3A_179 = vector.shape_cast %get3A_178 : vector<1x16xf32> to vector<16xf32>
        %mul3A_180 = arith.constant 8.000000e+00 : f32
        %mul3A_181 = vector.broadcast %mul3A_180 : f32 to vector<16xf32>
        %mul3A_182 = arith.mulf %get3A_179, %mul3A_181 : vector<16xf32>
        %get3A_183 = arith.index_cast %scan3A_124 : i32 to index
        %get3A_184 = arith.constant 48 : index
        %get3A_185 = tpu.vector_load %arg7[%get3A_183, %get3A_184] {strides = array<i32>} : memref<200x64xf32, #tpu.memory_space<vmem>>, vector<1x16xf32>,
        %get3A_186 = vector.shape_cast %get3A_185 : vector<1x16xf32> to vector<16xf32>
        %add3A_187 = arith.addf %mul3A_182, %get3A_186 : vector<16xf32>
        %swap3A_188 = arith.index_cast %scan3A_124 : i32 to index
        %swap3A_189 = arith.constant 48 : index
        %swap3A_190 = tpu.vector_load %arg8[%swap3A_188, %swap3A_189] {strides = array<i32>} : memref<200x64xf32, #tpu.memory_space<vmem>>, vector<1x16xf32>,
        %swap3A_191 = vector.shape_cast %swap3A_190 : vector<1x16xf32> to vector<16xf32>
        %swap3A_192 = vector.shape_cast %add3A_187 : vector<16xf32> to vector<1x16xf32>
        tpu.vector_store %arg8[%swap3A_188, %swap3A_189], %swap3A_192 {strides = array<i32>} : memref<200x64xf32, #tpu.memory_space<vmem>>, vector<1x16xf32>,
        %scan3A_193 = arith.constant 2 : i32
        %scan3A_194 = arith.addi %scan3A_56, %scan3A_193 : i32
        %get3A_195 = arith.index_cast %scan3A_194 : i32 to index
        %get3A_196 = arith.constant 0 : index
        %get3A_197 = tpu.vector_load %arg8[%get3A_195, %get3A_196] {strides = array<i32>} : memref<200x64xf32, #tpu.memory_space<vmem>>, vector<1x16xf32>,
        %get3A_198 = vector.shape_cast %get3A_197 : vector<1x16xf32> to vector<16xf32>
        %mul3A_199 = arith.constant 8.000000e+00 : f32
        %mul3A_200 = vector.broadcast %mul3A_199 : f32 to vector<16xf32>
        %mul3A_201 = arith.mulf %get3A_198, %mul3A_200 : vector<16xf32>
        %get3A_202 = arith.index_cast %scan3A_194 : i32 to index
        %get3A_203 = arith.constant 0 : index
        %get3A_204 = tpu.vector_load %arg7[%get3A_202, %get3A_203] {strides = array<i32>} : memref<200x64xf32, #tpu.memory_space<vmem>>, vector<1x16xf32>,
        %get3A_205 = vector.shape_cast %get3A_204 : vector<1x16xf32> to vector<16xf32>
        %add3A_206 = arith.addf %mul3A_201, %get3A_205 : vector<16xf32>
        %swap3A_207 = arith.index_cast %scan3A_194 : i32 to index
        %swap3A_208 = arith.constant 0 : index
        %swap3A_209 = tpu.vector_load %arg8[%swap3A_207, %swap3A_208] {strides = array<i32>} : memref<200x64xf32, #tpu.memory_space<vmem>>, vector<1x16xf32>,
        %swap3A_210 = vector.shape_cast %swap3A_209 : vector<1x16xf32> to vector<16xf32>
        %swap3A_211 = vector.shape_cast %add3A_206 : vector<16xf32> to vector<1x16xf32>
        tpu.vector_store %arg8[%swap3A_207, %swap3A_208], %swap3A_211 {strides = array<i32>} : memref<200x64xf32, #tpu.memory_space<vmem>>, vector<1x16xf32>,
        %get3A_212 = arith.index_cast %scan3A_194 : i32 to index
        %get3A_213 = arith.constant 16 : index
        %get3A_214 = tpu.vector_load %arg8[%get3A_212, %get3A_213] {strides = array<i32>} : memref<200x64xf32, #tpu.memory_space<vmem>>, vector<1x16xf32>,
        %get3A_215 = vector.shape_cast %get3A_214 : vector<1x16xf32> to vector<16xf32>
        %mul3A_216 = arith.constant 8.000000e+00 : f32
        %mul3A_217 = vector.broadcast %mul3A_216 : f32 to vector<16xf32>
        %mul3A_218 = arith.mulf %get3A_215, %mul3A_217 : vector<16xf32>
        %get3A_219 = arith.index_cast %scan3A_194 : i32 to index
        %get3A_220 = arith.constant 16 : index
        %get3A_221 = tpu.vector_load %arg7[%get3A_219, %get3A_220] {strides = array<i32>} : memref<200x64xf32, #tpu.memory_space<vmem>>, vector<1x16xf32>,
        %get3A_222 = vector.shape_cast %get3A_221 : vector<1x16xf32> to vector<16xf32>
        %add3A_223 = arith.addf %mul3A_218, %get3A_222 : vector<16xf32>
        %swap3A_224 = arith.index_cast %scan3A_194 : i32 to index
        %swap3A_225 = arith.constant 16 : index
        %swap3A_226 = tpu.vector_load %arg8[%swap3A_224, %swap3A_225] {strides = array<i32>} : memref<200x64xf32, #tpu.memory_space<vmem>>, vector<1x16xf32>,
        %swap3A_227 = vector.shape_cast %swap3A_226 : vector<1x16xf32> to vector<16xf32>
        %swap3A_228 = vector.shape_cast %add3A_223 : vector<16xf32> to vector<1x16xf32>
        tpu.vector_store %arg8[%swap3A_224, %swap3A_225], %swap3A_228 {strides = array<i32>} : memref<200x64xf32, #tpu.memory_space<vmem>>, vector<1x16xf32>,
        %get3A_229 = arith.index_cast %scan3A_194 : i32 to index
        %get3A_230 = arith.constant 32 : index
        %get3A_231 = tpu.vector_load %arg8[%get3A_229, %get3A_230] {strides = array<i32>} : memref<200x64xf32, #tpu.memory_space<vmem>>, vector<1x16xf32>,
        %get3A_232 = vector.shape_cast %get3A_231 : vector<1x16xf32> to vector<16xf32>
        %mul3A_233 = arith.constant 8.000000e+00 : f32
        %mul3A_234 = vector.broadcast %mul3A_233 : f32 to vector<16xf32>
        %mul3A_235 = arith.mulf %get3A_232, %mul3A_234 : vector<16xf32>
        %get3A_236 = arith.index_cast %scan3A_194 : i32 to index
        %get3A_237 = arith.constant 32 : index
        %get3A_238 = tpu.vector_load %arg7[%get3A_236, %get3A_237] {strides = array<i32>} : memref<200x64xf32, #tpu.memory_space<vmem>>, vector<1x16xf32>,
        %get3A_239 = vector.shape_cast %get3A_238 : vector<1x16xf32> to vector<16xf32>
        %add3A_240 = arith.addf %mul3A_235, %get3A_239 : vector<16xf32>
        %swap3A_241 = arith.index_cast %scan3A_194 : i32 to index
        %swap3A_242 = arith.constant 32 : index
        %swap3A_243 = tpu.vector_load %arg8[%swap3A_241, %swap3A_242] {strides = array<i32>} : memref<200x64xf32, #tpu.memory_space<vmem>>, vector<1x16xf32>,
        %swap3A_244 = vector.shape_cast %swap3A_243 : vector<1x16xf32> to vector<16xf32>
        %swap3A_245 = vector.shape_cast %add3A_240 : vector<16xf32> to vector<1x16xf32>
        tpu.vector_store %arg8[%swap3A_241, %swap3A_242], %swap3A_245 {strides = array<i32>} : memref<200x64xf32, #tpu.memory_space<vmem>>, vector<1x16xf32>,
        %get3A_246 = arith.index_cast %scan3A_194 : i32 to index
        %get3A_247 = arith.constant 48 : index
        %get3A_248 = tpu.vector_load %arg8[%get3A_246, %get3A_247] {strides = array<i32>} : memref<200x64xf32, #tpu.memory_space<vmem>>, vector<1x16xf32>,
        %get3A_249 = vector.shape_cast %get3A_248 : vector<1x16xf32> to vector<16xf32>
        %mul3A_250 = arith.constant 8.000000e+00 : f32
        %mul3A_251 = vector.broadcast %mul3A_250 : f32 to vector<16xf32>
        %mul3A_252 = arith.mulf %get3A_249, %mul3A_251 : vector<16xf32>
        %get3A_253 = arith.index_cast %scan3A_194 : i32 to index
        %get3A_254 = arith.constant 48 : index
        %get3A_255 = tpu.vector_load %arg7[%get3A_253, %get3A_254] {strides = array<i32>} : memref<200x64xf32, #tpu.memory_space<vmem>>, vector<1x16xf32>,
        %get3A_256 = vector.shape_cast %get3A_255 : vector<1x16xf32> to vector<16xf32>
        %add3A_257 = arith.addf %mul3A_252, %get3A_256 : vector<16xf32>
        %swap3A_258 = arith.index_cast %scan3A_194 : i32 to index
        %swap3A_259 = arith.constant 48 : index
        %swap3A_260 = tpu.vector_load %arg8[%swap3A_258, %swap3A_259] {strides = array<i32>} : memref<200x64xf32, #tpu.memory_space<vmem>>, vector<1x16xf32>,
        %swap3A_261 = vector.shape_cast %swap3A_260 : vector<1x16xf32> to vector<16xf32>
        %swap3A_262 = vector.shape_cast %add3A_257 : vector<16xf32> to vector<1x16xf32>
        tpu.vector_store %arg8[%swap3A_258, %swap3A_259], %swap3A_262 {strides = array<i32>} : memref<200x64xf32, #tpu.memory_space<vmem>>, vector<1x16xf32>,
        %scan3A_263 = arith.constant 3 : i32
        %scan3A_264 = arith.addi %scan3A_56, %scan3A_263 : i32
        %get3A_265 = arith.index_cast %scan3A_264 : i32 to index
        %get3A_266 = arith.constant 0 : index
        %get3A_267 = tpu.vector_load %arg8[%get3A_265, %get3A_266] {strides = array<i32>} : memref<200x64xf32, #tpu.memory_space<vmem>>, vector<1x16xf32>,
        %get3A_268 = vector.shape_cast %get3A_267 : vector<1x16xf32> to vector<16xf32>
        %mul3A_269 = arith.constant 8.000000e+00 : f32
        %mul3A_270 = vector.broadcast %mul3A_269 : f32 to vector<16xf32>
        %mul3A_271 = arith.mulf %get3A_268, %mul3A_270 : vector<16xf32>
        %get3A_272 = arith.index_cast %scan3A_264 : i32 to index
        %get3A_273 = arith.constant 0 : index
        %get3A_274 = tpu.vector_load %arg7[%get3A_272, %get3A_273] {strides = array<i32>} : memref<200x64xf32, #tpu.memory_space<vmem>>, vector<1x16xf32>,
        %get3A_275 = vector.shape_cast %get3A_274 : vector<1x16xf32> to vector<16xf32>
        %add3A_276 = arith.addf %mul3A_271, %get3A_275 : vector<16xf32>
        %swap3A_277 = arith.index_cast %scan3A_264 : i32 to index
        %swap3A_278 = arith.constant 0 : index
        %swap3A_279 = tpu.vector_load %arg8[%swap3A_277, %swap3A_278] {strides = array<i32>} : memref<200x64xf32, #tpu.memory_space<vmem>>, vector<1x16xf32>,
        %swap3A_280 = vector.shape_cast %swap3A_279 : vector<1x16xf32> to vector<16xf32>
        %swap3A_281 = vector.shape_cast %add3A_276 : vector<16xf32> to vector<1x16xf32>
        tpu.vector_store %arg8[%swap3A_277, %swap3A_278], %swap3A_281 {strides = array<i32>} : memref<200x64xf32, #tpu.memory_space<vmem>>, vector<1x16xf32>,
        %get3A_282 = arith.index_cast %scan3A_264 : i32 to index
        %get3A_283 = arith.constant 16 : index
        %get3A_284 = tpu.vector_load %arg8[%get3A_282, %get3A_283] {strides = array<i32>} : memref<200x64xf32, #tpu.memory_space<vmem>>, vector<1x16xf32>,
        %get3A_285 = vector.shape_cast %get3A_284 : vector<1x16xf32> to vector<16xf32>
        %mul3A_286 = arith.constant 8.000000e+00 : f32
        %mul3A_287 = vector.broadcast %mul3A_286 : f32 to vector<16xf32>
        %mul3A_288 = arith.mulf %get3A_285, %mul3A_287 : vector<16xf32>
        %get3A_289 = arith.index_cast %scan3A_264 : i32 to index
        %get3A_290 = arith.constant 16 : index
        %get3A_291 = tpu.vector_load %arg7[%get3A_289, %get3A_290] {strides = array<i32>} : memref<200x64xf32, #tpu.memory_space<vmem>>, vector<1x16xf32>,
        %get3A_292 = vector.shape_cast %get3A_291 : vector<1x16xf32> to vector<16xf32>
        %add3A_293 = arith.addf %mul3A_288, %get3A_292 : vector<16xf32>
        %swap3A_294 = arith.index_cast %scan3A_264 : i32 to index
        %swap3A_295 = arith.constant 16 : index
        %swap3A_296 = tpu.vector_load %arg8[%swap3A_294, %swap3A_295] {strides = array<i32>} : memref<200x64xf32, #tpu.memory_space<vmem>>, vector<1x16xf32>,
        %swap3A_297 = vector.shape_cast %swap3A_296 : vector<1x16xf32> to vector<16xf32>
        %swap3A_298 = vector.shape_cast %add3A_293 : vector<16xf32> to vector<1x16xf32>
        tpu.vector_store %arg8[%swap3A_294, %swap3A_295], %swap3A_298 {strides = array<i32>} : memref<200x64xf32, #tpu.memory_space<vmem>>, vector<1x16xf32>,
        %get3A_299 = arith.index_cast %scan3A_264 : i32 to index
        %get3A_300 = arith.constant 32 : index
        %get3A_301 = tpu.vector_load %arg8[%get3A_299, %get3A_300] {strides = array<i32>} : memref<200x64xf32, #tpu.memory_space<vmem>>, vector<1x16xf32>,
        %get3A_302 = vector.shape_cast %get3A_301 : vector<1x16xf32> to vector<16xf32>
        %mul3A_303 = arith.constant 8.000000e+00 : f32
        %mul3A_304 = vector.broadcast %mul3A_303 : f32 to vector<16xf32>
        %mul3A_305 = arith.mulf %get3A_302, %mul3A_304 : vector<16xf32>
        %get3A_306 = arith.index_cast %scan3A_264 : i32 to index
        %get3A_307 = arith.constant 32 : index
        %get3A_308 = tpu.vector_load %arg7[%get3A_306, %get3A_307] {strides = array<i32>} : memref<200x64xf32, #tpu.memory_space<vmem>>, vector<1x16xf32>,
        %get3A_309 = vector.shape_cast %get3A_308 : vector<1x16xf32> to vector<16xf32>
        %add3A_310 = arith.addf %mul3A_305, %get3A_309 : vector<16xf32>
        %swap3A_311 = arith.index_cast %scan3A_264 : i32 to index
        %swap3A_312 = arith.constant 32 : index
        %swap3A_313 = tpu.vector_load %arg8[%swap3A_311, %swap3A_312] {strides = array<i32>} : memref<200x64xf32, #tpu.memory_space<vmem>>, vector<1x16xf32>,
        %swap3A_314 = vector.shape_cast %swap3A_313 : vector<1x16xf32> to vector<16xf32>
        %swap3A_315 = vector.shape_cast %add3A_310 : vector<16xf32> to vector<1x16xf32>
        tpu.vector_store %arg8[%swap3A_311, %swap3A_312], %swap3A_315 {strides = array<i32>} : memref<200x64xf32, #tpu.memory_space<vmem>>, vector<1x16xf32>,
        %get3A_316 = arith.index_cast %scan3A_264 : i32 to index
        %get3A_317 = arith.constant 48 : index
        %get3A_318 = tpu.vector_load %arg8[%get3A_316, %get3A_317] {strides = array<i32>} : memref<200x64xf32, #tpu.memory_space<vmem>>, vector<1x16xf32>,
        %get3A_319 = vector.shape_cast %get3A_318 : vector<1x16xf32> to vector<16xf32>
        %mul3A_320 = arith.constant 8.000000e+00 : f32
        %mul3A_321 = vector.broadcast %mul3A_320 : f32 to vector<16xf32>
        %mul3A_322 = arith.mulf %get3A_319, %mul3A_321 : vector<16xf32>
        %get3A_323 = arith.index_cast %scan3A_264 : i32 to index
        %get3A_324 = arith.constant 48 : index
        %get3A_325 = tpu.vector_load %arg7[%get3A_323, %get3A_324] {strides = array<i32>} : memref<200x64xf32, #tpu.memory_space<vmem>>, vector<1x16xf32>,
        %get3A_326 = vector.shape_cast %get3A_325 : vector<1x16xf32> to vector<16xf32>
        %add3A_327 = arith.addf %mul3A_322, %get3A_326 : vector<16xf32>
        %swap3A_328 = arith.index_cast %scan3A_264 : i32 to index
        %swap3A_329 = arith.constant 48 : index
        %swap3A_330 = tpu.vector_load %arg8[%swap3A_328, %swap3A_329] {strides = array<i32>} : memref<200x64xf32, #tpu.memory_space<vmem>>, vector<1x16xf32>,
        %swap3A_331 = vector.shape_cast %swap3A_330 : vector<1x16xf32> to vector<16xf32>
        %swap3A_332 = vector.shape_cast %add3A_327 : vector<16xf32> to vector<1x16xf32>
        tpu.vector_store %arg8[%swap3A_328, %swap3A_329], %swap3A_332 {strides = array<i32>} : memref<200x64xf32, #tpu.memory_space<vmem>>, vector<1x16xf32>,
      }
      %scan3A_54 = arith.constant 200 : i32
      %add3A_55 = arith.addi %mul3A_2, %scan3A_8 : i32
      "tpu.region"() ({
        %run_scoped3A = tpu.sem_alloc : memref<!tpu.dma_semaphore, #tpu.memory_space<semaphore_mem>>
        %dma_start3A_56 = arith.constant 0 : i32
        %dma_start3A_57 = arith.constant 0 : i32
        %dma_start3A_58 = tpu.memref_slice %arg5[%add3A_55, %dma_start3A_56, %dma_start3A_57] : memref<4096x200x64xf32, #tpu.memory_space<hbm>> -> memref<1x200x64xf32, #tpu.memory_space<hbm>>
        %dma_start3A_59 = tpu.memref_squeeze %dma_start3A_58 : memref<1x200x64xf32, #tpu.memory_space<hbm>> -> memref<200x64xf32, #tpu.memory_space<hbm>>
        %dma_start3A_60 = arith.constant 0 : i32
        %dma_start3A_61 = arith.constant 0 : i32
        %dma_start3A_62 = tpu.memref_slice %arg5[%add3A_55, %dma_start3A_60, %dma_start3A_61] : memref<4096x200x64xf32, #tpu.memory_space<hbm>> -> memref<1x200x64xf32, #tpu.memory_space<hbm>>
        %dma_start3A_63 = tpu.memref_squeeze %dma_start3A_62 : memref<1x200x64xf32, #tpu.memory_space<hbm>> -> memref<200x64xf32, #tpu.memory_space<hbm>>
        tpu.enqueue_dma source(%arg8 : memref<200x64xf32, #tpu.memory_space<vmem>>) target(%dma_start3A_63 : memref<200x64xf32, #tpu.memory_space<hbm>>) target_semaphore(%run_scoped3A : memref<!tpu.dma_semaphore, #tpu.memory_space<semaphore_mem>>)
        %dma_wait3A_64 = arith.constant 0 : i32
        %dma_wait3A_65 = arith.constant 0 : i32
        %dma_wait3A_66 = tpu.memref_slice %arg5[%add3A_55, %dma_wait3A_64, %dma_wait3A_65] : memref<4096x200x64xf32, #tpu.memory_space<hbm>> -> memref<1x200x64xf32, #tpu.memory_space<hbm>>
        %dma_wait3A_67 = tpu.memref_squeeze %dma_wait3A_66 : memref<1x200x64xf32, #tpu.memory_space<hbm>> -> memref<200x64xf32, #tpu.memory_space<hbm>>
        %dma_wait3A_68 = arith.constant 0 : i32
        %dma_wait3A_69 = arith.constant 0 : i32
        %dma_wait3A_70 = tpu.memref_slice %arg5[%add3A_55, %dma_wait3A_68, %dma_wait3A_69] : memref<4096x200x64xf32, #tpu.memory_space<hbm>> -> memref<1x200x64xf32, #tpu.memory_space<hbm>>
        %dma_wait3A_71 = tpu.memref_squeeze %dma_wait3A_70 : memref<1x200x64xf32, #tpu.memory_space<hbm>> -> memref<200x64xf32, #tpu.memory_space<hbm>>
        tpu.wait_dma2 semaphore(%run_scoped3A : memref<!tpu.dma_semaphore, #tpu.memory_space<semaphore_mem>>) src(%arg8 : memref<200x64xf32, #tpu.memory_space<vmem>>) dst(%dma_wait3A_71 : memref<200x64xf32, #tpu.memory_space<hbm>>)
        tpu.yield
      }) : () -> ()
    }
    %scan3A_7 = arith.constant 128 : i32
    return
  }
}

</mosaic_0001>

<sc_bundles>
// kernel: kernel.3.cloned.1.call-start
scs
__scs_entry_jumppad:
0x0: {  	(pc) =	sbr.rel $0x88, $3  }
0x1: {  	(tag) =	ssettag $0x0;
	lr =	simm.s32 $0x1  }
0x2: {  	[smem:$0x3F9F] =	sst lr;
	_ =	strace $0xD0000000  }
0x3: {  	_ = 	snop  }
0x4: {  	_ = 	snop  }
0x5: {  	_ = 	snop  }
0x6: {  	_ = 	snop  }
0x7: {  	_ = 	snop  }
__scs_overlays_trampoline_lowered:
0x8: {  	[smem:$0x3FAE] =	sst s0  }
0x9: {  	[smem:$0x3FAF] =	sst s1  }
0xa: {  	[smem:$0x3FB0] =	sst s2  }
0xb: {  	[smem:$0x3FB1] =	sst s3  }
0xc: {  	[smem:$0x3FB2] =	sst s4  }
0xd: {  	[smem:$0x3FB3] =	sst s5  }
0xe: {  	[smem:$0x3FB4] =	sst s6  }
0xf: {  	[smem:$0x3FB5] =	sst s7  }
0x10: {  	[smem:$0x3FB6] =	sst s8  }
0x11: {  	[smem:$0x3FB7] =	sst s9;
	s0 =	simm.s32 @!p0 $0x0  }
0x12: {  	s1 =	sld [smem:$0x3F9D];
	s0 =	simm.s32 @p0 $0x1  }
0x13: {  	[smem:$0x3FB8] =	sst s0;
	s0 =	simm.s32 @!p1 $0x0  }
0x14: {  	s2 =	sld [smem:$0x3F9C];
	s0 =	simm.s32 @p1 $0x1  }
0x15: {  	[smem:$0x3FB9] =	sst s0;
	s0 =	simm.s32 @!p2 $0x0  }
0x16: {  	s3 =	sld [smem:$0x3FDB];
	s0 =	simm.s32 @p2 $0x1  }
0x17: {  	s4 =	simm.s32 $0x1BF5;
	[smem:$0x3FBB] =	sst s0  }
0x18: {  	s0 =	sld [smem:$0x3F9E];
	_ =	swait.ge [sflag:s4], $0x0  }
0x19: {  	s7 =	sld [smem:$0x3F9F]  }
0x1a: {  	s8 =	sadd.s32 $0xFFFFE003, lr  }
0x1b: {  	s9 =	sadd.s32 $0xFFFFFEF7, lr;
	s5 =	simm.s32 $0xFFFFFFFF;
	p2 =	slt.u32 s8, $0xFFFFF086  }
0x1c: {  	p1 =	slt.u32 s9, $0xF7A;
	s5 =	simm.s32 @!p2 $0x0  }
0x1d: {  	s5 =	simm.s32 @p1 $0x1;
	p0 =	seq.s32 s7, s2  }
0x1e: {  	s7 =	smul.u32 @!p0 $0xF7A, s2;
	p2 =	seq.s32 @!p0 s5, $0x0  }
0x1f: {  	s9 =	smul.u32 $0xF7A, s1;
	s8 =	simm.s32 @!p0 $0x1BF5;
	p2 =	por !p2, p0  }
0x20: {  	[sflag:s8] =	ssyncset.s32 @!p0 $0xFFFFF086;
	s6 =	sadd.s32 @!p0 s3, s7;
	s7 =	simm.s32 @!p0 $0x108  }
0x21: {  	s3 =	sadd.s32 s3, s9;
	s6 =	sadd.s32 @!p0 $0x88, s6;
	s7 =	simm.s32 @p2 $0x1082  }
0x22: {  	[simem:s7], [sflag:s8] =	dma.local @!p0 [hbm:s6], $0xF7A  }
0x23: {  	s9 =	sor.u32 $0xD0000000, s2;
	s6 =	simm.s32 $0x108;
	_ =	swait.ge @!p0 [sflag:s8], $0x0  }
0x24: {  	s3 =	sadd.s32 $0x88, s3;
	s6 =	simm.s32 @!p1 $0x1082;
	[sflag:s4] =	ssyncset.s32 $0xFFFFF086  }
0x25: {  	[simem:s6], [sflag:s4] =	dma.local [hbm:s3], $0xF7A  }
0x26: {  	[smem:$0x3F9F] =	sst s1;
	(tag) =	ssettag s2;
	_ =	strace s9  }
0x27: {  	s1 =	sld [smem:$0x3FAF]  }
0x28: {  	s2 =	sld [smem:$0x3FB0]  }
0x29: {  	s4 =	sld [smem:$0x3FB2]  }
0x2a: {  	p0 =	seq.s32 s5, $0x0;
	s5 =	sld [smem:$0x3FB3]  }
0x2b: {  	s6 =	sld [smem:$0x3FB4]  }
0x2c: {  	s7 =	sld [smem:$0x3FB5]  }
0x2d: {  	s3 =	simm.s32 $0x108;
	s8 =	sld [smem:$0x3FB6]  }
0x2e: {  	s3 =	simm.s32 @!p0 $0x1082;
	s9 =	sld [smem:$0x3FB7]  }
0x2f: {  	lr =	sadd.s32 s0, s3;
	s0 =	sld [smem:$0x3FAE]  }
0x30: {  	s3 =	sld [smem:$0x3FB1]  }
0x31: {  	[smem:$0x3FBA] =	sst s10  }
0x32: {  	s10 =	sld [smem:$0x3FB8];
	_ =	sdelay $0x3  }
0x33: {  	p0 =	seq.s32 s10, $0x1;
	s10 =	sld [smem:$0x3FBA];
	_ =	sdelay $0x3  }
0x34: {  	[smem:$0x3FBA] =	sst s10  }
0x35: {  	s10 =	sld [smem:$0x3FB9];
	_ =	sdelay $0x3  }
0x36: {  	p1 =	seq.s32 s10, $0x1;
	s10 =	sld [smem:$0x3FBA];
	_ =	sdelay $0x3  }
0x37: {  	[smem:$0x3FBA] =	sst s10  }
0x38: {  	s10 =	sld [smem:$0x3FBB]  }
0x39: {  	_ = 	snop;
	(pc) =	sbr.ind lr, $3  }
0x3a: {  	_ = 	snop  }
0x3b: {  	_ = 	snop  }
0x3c: {  	p2 =	seq.s32 s10, $0x1;
	s10 =	sld [smem:$0x3FBA]  }
0x3d: {  	_ =	shalt  }
0x3e: {  	_ =	shalt  }
0x3f: {  	_ =	shalt  }
0x40: {  	_ =	shalt  }
0x41: {  	_ =	shalt  }
0x42: {  	_ =	shalt  }
0x43: {  	_ =	shalt  }
0x44: {  	_ =	shalt  }
0x45: {  	_ =	shalt  }
0x46: {  	_ =	shalt  }
0x47: {  	_ =	shalt  }
0x48: {  	_ =	shalt  }
0x49: {  	_ =	shalt  }
0x4a: {  	_ =	shalt  }
0x4b: {  	_ =	shalt  }
0x4c: {  	_ =	shalt  }
0x4d: {  	_ =	shalt  }
0x4e: {  	_ =	shalt  }
0x4f: {  	_ =	shalt  }
0x50: {  	_ =	shalt  }
0x51: {  	_ =	shalt  }
0x52: {  	_ =	shalt  }
0x53: {  	_ =	shalt  }
0x54: {  	_ =	shalt  }
0x55: {  	_ =	shalt  }
0x56: {  	_ =	shalt  }
0x57: {  	_ =	shalt  }
0x58: {  	_ =	shalt  }
0x59: {  	_ =	shalt  }
0x5a: {  	_ =	shalt  }
0x5b: {  	_ =	shalt  }
0x5c: {  	_ =	shalt  }
0x5d: {  	_ =	shalt  }
0x5e: {  	_ =	shalt  }
0x5f: {  	_ =	shalt  }
0x60: {  	_ =	shalt  }
0x61: {  	_ =	shalt  }
0x62: {  	_ =	shalt  }
0x63: {  	_ =	shalt  }
0x64: {  	_ =	shalt  }
0x65: {  	_ =	shalt  }
0x66: {  	_ =	shalt  }
0x67: {  	_ =	shalt  }
0x68: {  	_ =	shalt  }
0x69: {  	_ =	shalt  }
0x6a: {  	_ =	shalt  }
0x6b: {  	_ =	shalt  }
0x6c: {  	_ =	shalt  }
0x6d: {  	_ =	shalt  }
0x6e: {  	_ =	shalt  }
0x6f: {  	_ =	shalt  }
0x70: {  	_ =	shalt  }
0x71: {  	_ =	shalt  }
0x72: {  	_ =	shalt  }
0x73: {  	_ =	shalt  }
0x74: {  	_ =	shalt  }
0x75: {  	_ =	shalt  }
0x76: {  	_ =	shalt  }
0x77: {  	_ =	shalt  }
0x78: {  	_ =	shalt  }
0x79: {  	_ =	shalt  }
0x7a: {  	_ =	shalt  }
0x7b: {  	_ =	shalt  }
0x7c: {  	_ =	shalt  }
0x7d: {  	_ =	shalt  }
0x7e: {  	_ =	shalt  }
0x7f: {  	_ =	shalt  }
0x80: {  	_ =	shalt  }
0x81: {  	_ =	shalt  }
0x82: {  	_ =	shalt  }
0x83: {  	_ =	shalt  }
0x84: {  	_ =	shalt  }
0x85: {  	_ =	shalt  }
0x86: {  	_ =	shalt  }
0x87: {  	_ =	shalt  }
.Lfunc_end0:
.L_simem_size_0:
called_computation.1_lowered:
.L_overlay_start_0:
0x88: {  	s2 =	sld [smem:$0x3FD9]  }
0x89: {  	s3 =	sld [smem:$0x3FFE];
	_ =	sdelay $0x1  }
0x8a: {  	s1 =	srdreg.scid  }
0x8b: {  	s0 =	sand.u32 $0x1, s1  }
0x8c: {  	s17 =	sshll.u32 s0, $0xA;
	s2 =	sadd.s32 s3, s2  }
0x8d: {  	s2 =	sadd.s32 s2, s17  }
0x8e: {  	[smem:$0x3FC6] =	sst s2  }
0x8f: {  	_ = 	snop  }
0x90: {  	s2 =	sld [smem:$0x3FD0];
	(tm) =	ssettm $0x1  }
0x91: {  	s18 =	sld [smem:$0x3FFB];
	_ =	sdelay $0x3  }
0x92: {  	_ =	strace s18  }
0x93: {  	s3 =	sld [smem:$0x3FFC];
	_ =	sdelay $0x3  }
0x94: {  	_ =	strace s3  }
0x95: {  	s3 =	sld [smem:$0x3FFD];
	_ =	sdelay $0x3  }
0x96: {  	_ =	strace s3  }
0x97: {  	_ =	strace $0x8FFFFFFF  }
0x98: {  	s19 =	sld [smem:$0x3FDB];
	_ =	sdelay $0x1  }
0x99: {  	s4 =	simm.s32 $_scs_section_size  }
0x9a: {  	s5 =	simm.s32 $_size__tile_overlayer_lowered;
	s6 =	simm.s32 $_tile_overlayer_lowered  }
0x9b: {  	s22 =	simm.s32 $0x1BFF;
	s21 =	sshll.u32 s6, $0x1;
	s3 =	sadd.s32 s4, s19  }
0x9c: {  	s7 =	simm.s32 $0x0;
	s20 =	sshll.u32 s5, $0x1;
	s5 =	sadd.s32 s21, s3  }
0x9d: {  	[timem:s7], [sflag:s22] =	dma.local [hbm:s5], s20  }
0x9e: {  	_ =	swait.ge [sflag:s22], s20  }
0x9f: {  	s4 =	ssub.s32 $0x0, s20;
	[sflag:s22] =	ssyncset.done $0x0  }
0xa0: {  	[sflag:s22] =	ssyncadd.s32 s4;
	_ =	sdelay $0x1  }
0xa1: {  	s23 =	simm.s32 $0x1B8B  }
0xa2: {  	_ =	swait.ge [sflag:s23], $0x1  }
0xa3: {  	[sflag:s23] =	ssyncset.done $0x0  }
0xa4: {  	s25 =	simm.s32 $0x1B8E;
	s24 =	sld [smem:$0x3FFE];
	[sflag:s23] =	ssyncadd.s32 $0xFFFFFFFF  }
0xa5: {  	s26 =	simm.s32 $execute0_lowered;
	[smem:$0x3FD2] =	sst s25  }
0xa6: {  	s5 =	sshll.u32 s26, $0x1;
	_ =	strace $0x80000046;
	[dreg:$0x1] =	wrdreg $0xFFFFFFFF  }
0xa7: {  	s28 =	simm.s32 $_size_execute0_lowered;
	s3 =	sadd.s32 s3, s5;
	[dreg:$0x0] =	wrdreg $0x0  }
0xa8: {  	s5 =	sshll.u32 s28, $0x1;
	[dreg:$0x2] =	wrdreg s3  }
0xa9: {  	[dreg:$0x3] =	wrdreg s5  }
0xaa: {  	[dreg:$0x4] =	wrdreg $0xC0  }
0xab: {  	_ =	task [dreg:s7], $0x5FFFF  }
0xac: {  	[dreg:$0x1] =	wrdreg $0xFFFFFFFF  }
0xad: {  	[dreg:$0x0] =	wrdreg $0x60  }
0xae: {  	[dreg:$0x2] =	wrdreg s24  }
0xaf: {  	[dreg:$0x3] =	wrdreg s2  }
0xb0: {  	[dreg:$0x4] =	wrdreg $0x9  }
0xb1: {  	_ =	task.clear_ibuf [dreg:s7], $0x5FFFF;
	_ =	strace $0x90000046  }
0xb2: {  	s29 =	simm.s32 $0x9;
	_ =	strace $0x80000048  }
0xb3: {  	_ =	swait.ge [sflag:s29], $0x1  }
0xb4: {  	[sflag:s29] =	ssyncadd.s32 $0xFFFFFFFF  }
0xb5: {  	_ =	strace $0x90000048  }
0xb6: {  	_ =	sfence  }
0xb7: {  	s30 =	sld [smem:$0x0];
	_ =	sdelay $0x2  }
0xb8: {  	s31 =	sshll.u32 s1, $0xD;
	s1 =	sshrl.u32 s1, $0x2  }
0xb9: {  	s3 =	sand.u32 $0x4000, s31;
	s1 =	sadd.s32 s1, s30  }
0xba: {  	s0 =	sor.u32 s3, s0;
	s1 =	sshll.u32 s1, $0x11  }
0xbb: {  	s0 =	sor.u32 s1, s0  }
0xbc: {  	s0 =	sadd.s32 $0x8F2B, s0  }
0xbd: {  	[sflag:s0] =	ssyncadd.remote.s32 $0x1  }
0xbe: {  	_ =	sfence.sel $0xFFFF  }
0xbf: {  	[dreg:$0x0] =	wrdreg $0xFFFFFFFF;
	(pc) =	sbr.abs _section_cstart, $3  }
0xc0: {  	[dreg:$0x1] =	wrdreg $0xFFFFFFFF  }
0xc1: {  	_ =	task.clear_ibuf [dreg:s7], $0x2FFFF;
	_ =	strace $0x9FFFFFFF  }
0xc2: {  	(tm) =	ssettm $0x7FFFFFFF  }
0xc3: {  	_ =	shalt  }
tec
execute0_lowered:
.L_overlay_start_1:
0x0: {  	(tag) =	ssettag $0x1  }
0x1: {  	s5 =	rddreg [dreg:$0x0];
	s1 =	srdreg.scid  }
0x2: {  	s0 =	stileid.u32;
	s2 =	rddreg [dreg:$0x1]  }
0x3: {  	s3 =	simm.s32 $0x0;
	s10 =	simm.s32 $0x6800;
	s11 =	simm.s32 $0x64  }
0x4: {  	s12 =	simm.s32 $0x9A00;
	s13 =	simm.s32 $0xB300;
	s14 =	simm.s32 $0x1  }
0x5: {  	s4 =	sand.u32 $0x1, s1;
	s6 =	sshll.u32 s0, $0x1;
	s1 =	rddreg [dreg:$0x2]  }
0x6: {  	s15 =	simm.s32 $0x0;
	[smem:$0x7FF] =	sst s3;
	s7 =	sor.u32 s4, s6  }
0x7: {  	_ =	strace $0x80000047;
	s8 =	ssub.s32 $0x2, s4;
	s6 =	smul.u32 $0xD00, s7  }
0x8: {  	s4 =	sadd.s32 $0x1B200, s5;
	s9 =	sshrl.u32 s8, $0x1;
	s7 =	sshll.u32 s7, $0x7  }
0x9: {  	s8 =	ssub.s32 s8, s9;
	s9 =	simm.s32 $0x2;
	s6 =	sadd.s32 s6, s5  }
0xa: {  	s5 =	sadd.s32 $0xA00, s5;
	s8 =	smax.u32 s8, $0x1;
	s6 =	sadd.s32 $0x1200, s6  }
.LBB2_1:
0xb: {  	[tilespmem:s3], [sflag:$0x2] =	stream.linear.gather [hbm4b:s6+s3], $0x6800, $0x38;
	[tilespmem:$0xCC00] =	vst v63  }
0xc: {  	_ =	swait.ge [sflag:s9], $0x6800  }
0xd: {  	[sflag:s9] =	ssyncset.done $0x0  }
0xe: {  	[sflag:s9] =	ssyncadd.s32 $0xFFFF9800  }
0xf: {  	[tilespmem:s10], [sflag:$0x2] =	stream.linear.gather [hbm4b:s5+s3], $0x3200, $0x38;
	[tilespmem:$0xCC00] =	vst v63  }
0x10: {  	_ =	swait.ge [sflag:s9], $0x3200  }
0x11: {  	[sflag:s9] =	ssyncset.done $0x0  }
0x12: {  	s16 =	simm.s32 $0x0;
	[sflag:s9] =	ssyncadd.s32 $0xFFFFCE00  }
.LBB2_2:
0x13: {  	s17 =	smul.u32 $0x340, s16;
	_ =	sdelay $0x1  }
0x14: {  	s17 =	sshra.s32 s17, $0x2  }
0x15: {  	[tilespmem:s12], [sflag:$0x1] =	stream.indirect.gather [hbm4b:s4+s11], $0x40, s17, s11, $0xb8;
	[tilespmem:$0xCC00] =	vst v63  }
0x16: {  	s17 =	sadd.s32 $0x68, s17  }
0x17: {  	[tilespmem:s13], [sflag:$0x1] =	stream.indirect.gather [hbm4b:s4+s11], $0x40, s17, s11, $0xb8;
	[tilespmem:$0xCC00] =	vst v63  }
0x18: {  	_ =	swait.ge [sflag:s14], $0x1900  }
0x19: {  	[sflag:s14] =	ssyncset.done $0x0  }
0x1a: {  	[sflag:s14] =	ssyncadd.s32 $0xFFFFE700  }
0x1b: {  	_ =	swait.ge [sflag:s14], $0x1900  }
0x1c: {  	[sflag:s14] =	ssyncset.done $0x0  }
0x1d: {  	s17 =	simm.s32 $0x9A80;
	[sflag:s14] =	ssyncadd.s32 $0xFFFFE700  }
0x1e: {  	v0 =	vld [tilespmem:s17+$0xFFFFFF80]  }
0x1f: {  	s18 =	simm.s32 $0x6880  }
0x20: {  	v1 =	vld [tilespmem:s18+$0xFFFFFF80];
	_ =	sdelay $0x2  }
0x21: {  	v0 =	vmul.f32 $8.000000000e+00, v0;
	_ =	sdelay $0x1  }
0x22: {  	v0 =	vadd.f32 v1, v0  }
0x23: {  	v1 =	vld [tilespmem:s17+$0xFFFFFF90]  }
0x24: {  	[tilespmem:s17+$0xFFFFFF80] =	vst v0  }
0x25: {  	v0 =	vld [tilespmem:s18+$0xFFFFFF90];
	_ =	sdelay $0x2  }
0x26: {  	v1 =	vmul.f32 $8.000000000e+00, v1;
	_ =	sdelay $0x1  }
0x27: {  	v0 =	vadd.f32 v0, v1  }
0x28: {  	v1 =	vld [tilespmem:s17+$0xFFFFFFA0]  }
0x29: {  	[tilespmem:s17+$0xFFFFFF90] =	vst v0  }
0x2a: {  	v0 =	vld [tilespmem:s18+$0xFFFFFFA0];
	_ =	sdelay $0x2  }
0x2b: {  	v1 =	vmul.f32 $8.000000000e+00, v1;
	_ =	sdelay $0x1  }
0x2c: {  	v0 =	vadd.f32 v0, v1  }
0x2d: {  	v1 =	vld [tilespmem:s17+$0xFFFFFFB0]  }
0x2e: {  	[tilespmem:s17+$0xFFFFFFA0] =	vst v0  }
0x2f: {  	v0 =	vld [tilespmem:s18+$0xFFFFFFB0];
	_ =	sdelay $0x2  }
0x30: {  	v1 =	vmul.f32 $8.000000000e+00, v1;
	_ =	sdelay $0x1  }
0x31: {  	v0 =	vadd.f32 v0, v1  }
0x32: {  	v1 =	vld [tilespmem:s17+$0xFFFFFFC0]  }
0x33: {  	[tilespmem:s17+$0xFFFFFFB0] =	vst v0  }
0x34: {  	v0 =	vld [tilespmem:s18+$0xFFFFFFC0];
	_ =	sdelay $0x2  }
0x35: {  	v1 =	vmul.f32 $8.000000000e+00, v1;
	_ =	sdelay $0x1  }
0x36: {  	v0 =	vadd.f32 v0, v1  }
0x37: {  	v1 =	vld [tilespmem:s17+$0xFFFFFFD0]  }
0x38: {  	[tilespmem:s17+$0xFFFFFFC0] =	vst v0  }
0x39: {  	v0 =	vld [tilespmem:s18+$0xFFFFFFD0];
	_ =	sdelay $0x2  }
0x3a: {  	v1 =	vmul.f32 $8.000000000e+00, v1;
	_ =	sdelay $0x1  }
0x3b: {  	v0 =	vadd.f32 v0, v1  }
0x3c: {  	v1 =	vld [tilespmem:s17+$0xFFFFFFE0]  }
0x3d: {  	[tilespmem:s17+$0xFFFFFFD0] =	vst v0  }
0x3e: {  	v0 =	vld [tilespmem:s18+$0xFFFFFFE0];
	_ =	sdelay $0x2  }
0x3f: {  	v1 =	vmul.f32 $8.000000000e+00, v1;
	_ =	sdelay $0x1  }
0x40: {  	v0 =	vadd.f32 v0, v1  }
0x41: {  	v1 =	vld [tilespmem:s17+$0xFFFFFFF0]  }
0x42: {  	[tilespmem:s17+$0xFFFFFFE0] =	vst v0  }
0x43: {  	v0 =	vld [tilespmem:s18+$0xFFFFFFF0];
	_ =	sdelay $0x2  }
0x44: {  	v1 =	vmul.f32 $8.000000000e+00, v1;
	_ =	sdelay $0x1  }
0x45: {  	v0 =	vadd.f32 v0, v1  }
0x46: {  	v1 =	vld [tilespmem:s17+$0x0]  }
0x47: {  	[tilespmem:s17+$0xFFFFFFF0] =	vst v0  }
0x48: {  	v0 =	vld [tilespmem:s18+$0x0];
	_ =	sdelay $0x2  }
0x49: {  	v1 =	vmul.f32 $8.000000000e+00, v1;
	_ =	sdelay $0x1  }
0x4a: {  	v0 =	vadd.f32 v0, v1  }
0x4b: {  	v1 =	vld [tilespmem:s17+$0x10]  }
0x4c: {  	[tilespmem:s17+$0x0] =	vst v0  }
0x4d: {  	v0 =	vld [tilespmem:s18+$0x10];
	_ =	sdelay $0x2  }
0x4e: {  	v1 =	vmul.f32 $8.000000000e+00, v1;
	_ =	sdelay $0x1  }
0x4f: {  	v0 =	vadd.f32 v0, v1  }
0x50: {  	v1 =	vld [tilespmem:s17+$0x20]  }
0x51: {  	[tilespmem:s17+$0x10] =	vst v0  }
0x52: {  	v0 =	vld [tilespmem:s18+$0x20];
	_ =	sdelay $0x2  }
0x53: {  	v1 =	vmul.f32 $8.000000000e+00, v1;
	_ =	sdelay $0x1  }
0x54: {  	v0 =	vadd.f32 v0, v1  }
0x55: {  	v1 =	vld [tilespmem:s17+$0x30]  }
0x56: {  	[tilespmem:s17+$0x20] =	vst v0  }
0x57: {  	v0 =	vld [tilespmem:s18+$0x30];
	_ =	sdelay $0x2  }
0x58: {  	v1 =	vmul.f32 $8.000000000e+00, v1;
	_ =	sdelay $0x1  }
0x59: {  	v0 =	vadd.f32 v0, v1  }
0x5a: {  	v1 =	vld [tilespmem:s17+$0x40]  }
0x5b: {  	[tilespmem:s17+$0x30] =	vst v0  }
0x5c: {  	v0 =	vld [tilespmem:s18+$0x40];
	_ =	sdelay $0x2  }
0x5d: {  	v1 =	vmul.f32 $8.000000000e+00, v1;
	_ =	sdelay $0x1  }
0x5e: {  	v0 =	vadd.f32 v0, v1  }
0x5f: {  	v1 =	vld [tilespmem:s17+$0x50]  }
0x60: {  	[tilespmem:s17+$0x40] =	vst v0  }
0x61: {  	v0 =	vld [tilespmem:s18+$0x50];
	_ =	sdelay $0x2  }
0x62: {  	v1 =	vmul.f32 $8.000000000e+00, v1;
	_ =	sdelay $0x1  }
0x63: {  	v0 =	vadd.f32 v0, v1  }
0x64: {  	v1 =	vld [tilespmem:s17+$0x60]  }
0x65: {  	[tilespmem:s17+$0x50] =	vst v0  }
0x66: {  	v0 =	vld [tilespmem:s18+$0x60];
	_ =	sdelay $0x2  }
0x67: {  	v1 =	vmul.f32 $8.000000000e+00, v1;
	_ =	sdelay $0x1  }
0x68: {  	v0 =	vadd.f32 v0, v1  }
0x69: {  	v1 =	vld [tilespmem:s17+$0x70]  }
0x6a: {  	[tilespmem:s17+$0x60] =	vst v0  }
0x6b: {  	v0 =	vld [tilespmem:s18+$0x70];
	_ =	sdelay $0x2  }
0x6c: {  	v1 =	vmul.f32 $8.000000000e+00, v1;
	_ =	sdelay $0x1  }
0x6d: {  	s19 =	simm.s32 $0x0;
	s20 =	simm.s32 $0x9B80;
	v0 =	vadd.f32 v0, v1  }
.LBB2_3:
0x6e: {  	v1 =	vld [tilespmem:s20+$0xFFFFFF80];
	s19 =	sadd.s32 $0x4, s19  }
0x6f: {  	s18 =	sadd.s32 $0x100, s18;
	p0 =	slt.u32 s19, $0xC4;
	[tilespmem:s17+$0x70] =	vst v0;
	s17 =	smov.u32 s20  }
0x70: {  	v0 =	vld [tilespmem:s18+$0xFFFFFF80];
	_ =	sdelay $0x2  }
0x71: {  	v1 =	vmul.f32 $8.000000000e+00, v1;
	_ =	sdelay $0x1  }
0x72: {  	v0 =	vadd.f32 v0, v1  }
0x73: {  	v1 =	vld [tilespmem:s20+$0xFFFFFF90]  }
0x74: {  	[tilespmem:s20+$0xFFFFFF80] =	vst v0  }
0x75: {  	v0 =	vld [tilespmem:s18+$0xFFFFFF90];
	_ =	sdelay $0x2  }
0x76: {  	v1 =	vmul.f32 $8.000000000e+00, v1;
	_ =	sdelay $0x1  }
0x77: {  	v0 =	vadd.f32 v0, v1  }
0x78: {  	v1 =	vld [tilespmem:s20+$0xFFFFFFA0]  }
0x79: {  	[tilespmem:s20+$0xFFFFFF90] =	vst v0  }
0x7a: {  	v0 =	vld [tilespmem:s18+$0xFFFFFFA0];
	_ =	sdelay $0x2  }
0x7b: {  	v1 =	vmul.f32 $8.000000000e+00, v1;
	_ =	sdelay $0x1  }
0x7c: {  	v0 =	vadd.f32 v0, v1  }
0x7d: {  	v1 =	vld [tilespmem:s20+$0xFFFFFFB0]  }
0x7e: {  	[tilespmem:s20+$0xFFFFFFA0] =	vst v0  }
0x7f: {  	v0 =	vld [tilespmem:s18+$0xFFFFFFB0];
	_ =	sdelay $0x2  }
0x80: {  	v1 =	vmul.f32 $8.000000000e+00, v1;
	_ =	sdelay $0x1  }
0x81: {  	v0 =	vadd.f32 v0, v1  }
0x82: {  	v1 =	vld [tilespmem:s20+$0xFFFFFFC0]  }
0x83: {  	[tilespmem:s20+$0xFFFFFFB0] =	vst v0  }
0x84: {  	v0 =	vld [tilespmem:s18+$0xFFFFFFC0];
	_ =	sdelay $0x2  }
0x85: {  	v1 =	vmul.f32 $8.000000000e+00, v1;
	_ =	sdelay $0x1  }
0x86: {  	v0 =	vadd.f32 v0, v1  }
0x87: {  	v1 =	vld [tilespmem:s20+$0xFFFFFFD0]  }
0x88: {  	[tilespmem:s20+$0xFFFFFFC0] =	vst v0  }
0x89: {  	v0 =	vld [tilespmem:s18+$0xFFFFFFD0];
	_ =	sdelay $0x2  }
0x8a: {  	v1 =	vmul.f32 $8.000000000e+00, v1;
	_ =	sdelay $0x1  }
0x8b: {  	v0 =	vadd.f32 v0, v1  }
0x8c: {  	v1 =	vld [tilespmem:s20+$0xFFFFFFE0]  }
0x8d: {  	[tilespmem:s20+$0xFFFFFFD0] =	vst v0  }
0x8e: {  	v0 =	vld [tilespmem:s18+$0xFFFFFFE0];
	_ =	sdelay $0x2  }
0x8f: {  	v1 =	vmul.f32 $8.000000000e+00, v1;
	_ =	sdelay $0x1  }
0x90: {  	v0 =	vadd.f32 v0, v1  }
0x91: {  	v1 =	vld [tilespmem:s20+$0xFFFFFFF0]  }
0x92: {  	[tilespmem:s20+$0xFFFFFFE0] =	vst v0  }
0x93: {  	v0 =	vld [tilespmem:s18+$0xFFFFFFF0];
	_ =	sdelay $0x2  }
0x94: {  	v1 =	vmul.f32 $8.000000000e+00, v1;
	_ =	sdelay $0x1  }
0x95: {  	v0 =	vadd.f32 v0, v1  }
0x96: {  	v1 =	vld [tilespmem:s20+$0x0]  }
0x97: {  	[tilespmem:s20+$0xFFFFFFF0] =	vst v0  }
0x98: {  	v0 =	vld [tilespmem:s18+$0x0];
	_ =	sdelay $0x2  }
0x99: {  	v1 =	vmul.f32 $8.000000000e+00, v1;
	_ =	sdelay $0x1  }
0x9a: {  	v0 =	vadd.f32 v0, v1  }
0x9b: {  	v1 =	vld [tilespmem:s20+$0x10]  }
0x9c: {  	[tilespmem:s20+$0x0] =	vst v0  }
0x9d: {  	v0 =	vld [tilespmem:s18+$0x10];
	_ =	sdelay $0x2  }
0x9e: {  	v1 =	vmul.f32 $8.000000000e+00, v1;
	_ =	sdelay $0x1  }
0x9f: {  	v0 =	vadd.f32 v0, v1  }
0xa0: {  	v1 =	vld [tilespmem:s20+$0x20]  }
0xa1: {  	[tilespmem:s20+$0x10] =	vst v0  }
0xa2: {  	v0 =	vld [tilespmem:s18+$0x20];
	_ =	sdelay $0x2  }
0xa3: {  	v1 =	vmul.f32 $8.000000000e+00, v1;
	_ =	sdelay $0x1  }
0xa4: {  	v0 =	vadd.f32 v0, v1  }
0xa5: {  	v1 =	vld [tilespmem:s20+$0x30]  }
0xa6: {  	[tilespmem:s20+$0x20] =	vst v0  }
0xa7: {  	v0 =	vld [tilespmem:s18+$0x30];
	_ =	sdelay $0x2  }
0xa8: {  	v1 =	vmul.f32 $8.000000000e+00, v1;
	_ =	sdelay $0x1  }
0xa9: {  	v0 =	vadd.f32 v0, v1  }
0xaa: {  	v1 =	vld [tilespmem:s20+$0x40]  }
0xab: {  	[tilespmem:s20+$0x30] =	vst v0  }
0xac: {  	v0 =	vld [tilespmem:s18+$0x40];
	_ =	sdelay $0x2  }
0xad: {  	v1 =	vmul.f32 $8.000000000e+00, v1;
	_ =	sdelay $0x1  }
0xae: {  	v0 =	vadd.f32 v0, v1  }
0xaf: {  	v1 =	vld [tilespmem:s20+$0x50]  }
0xb0: {  	[tilespmem:s20+$0x40] =	vst v0  }
0xb1: {  	v0 =	vld [tilespmem:s18+$0x50];
	_ =	sdelay $0x2  }
0xb2: {  	v1 =	vmul.f32 $8.000000000e+00, v1;
	_ =	sdelay $0x1  }
0xb3: {  	v0 =	vadd.f32 v0, v1  }
0xb4: {  	v1 =	vld [tilespmem:s20+$0x60]  }
0xb5: {  	[tilespmem:s20+$0x50] =	vst v0  }
0xb6: {  	v0 =	vld [tilespmem:s18+$0x60];
	_ =	sdelay $0x2  }
0xb7: {  	v1 =	vmul.f32 $8.000000000e+00, v1;
	_ =	sdelay $0x1  }
0xb8: {  	v0 =	vadd.f32 v0, v1  }
0xb9: {  	v1 =	vld [tilespmem:s20+$0x70]  }
0xba: {  	[tilespmem:s20+$0x60] =	vst v0  }
0xbb: {  	v0 =	vld [tilespmem:s18+$0x70]  }
.Ltmp0:
0xbc: {  	(pc) =	sbr.rel @p0 .LBB2_3-.Ltmp0, $3  }
0xbd: {  	_ = 	snop  }
0xbe: {  	v1 =	vmul.f32 $8.000000000e+00, v1;
	_ =	sdelay $0x1  }
0xbf: {  	s20 =	sadd.s32 $0x100, s20;
	v0 =	vadd.f32 v0, v1  }
0xc0: {  	s18 =	sadd.s32 s7, s16  }
0xc1: {  	s16 =	sadd.s32 $0x1, s16;
	s18 =	smul.u32 $0x640, s18  }
0xc2: {  	p0 =	sne.s32 s16, $0x80  }
.Ltmp1:
0xc3: {  	[tilespmem:s17+$0x70] =	vst v0;
	s31 =	sadd.s32 s2, s18;
	(pc) =	sbr.rel @p0 .LBB2_2-.Ltmp1, $4  }
0xc4: {  	[hbm4b:s31+s3] =	stream.linear.scatter [tilespmem:s12], [sflag:$0x2], $0x3200, $0x38;
	[tilespmem:$0xCC00] =	vst v63  }
0xc5: {  	_ =	swait.ge [sflag:s9], $0x3200  }
0xc6: {  	[sflag:s9] =	ssyncset.done $0x0  }
0xc7: {  	[sflag:s9] =	ssyncadd.s32 $0xFFFFCE00  }
0xc8: {  	s15 =	sadd.s32 $0x1, s15  }
0xc9: {  	p0 =	sne.s32 s15, s8  }
.Ltmp2:
0xca: {  	_ = 	snop;
	(pc) =	sbr.rel @p0 .LBB2_1-.Ltmp2, $1  }
0xcb: {  	_ =	sdelay $0x3  }
0xcc: {  	_ =	sfence.sel $0x180000  }
0xcd: {  	[bflag:$0x0] =	sbarrier.arrive $0xFFFF  }
0xce: {  	p0 =	sne.s32 s0, $0x0;
	_ =	strace $0x90000047  }
0xcf: {  	s0 =	sadd.s32 @!p0 $0x100000, s1;
	[bflag:$0x2] =	sbarrier.arrive $0xFFFF  }
0xd0: {  	[sflag:s0] =	ssyncadd.tile.s32 @!p0 $0x1;
	_ =	shalt  }
.Lfunc_end2:
_tile_overlayer_lowered:
.L_overlay_start_2:
0xd1: {  	(tag) =	ssettag $0x2  }
0xd2: {  	s0 =	rddreg [dreg:$0x0];
	s2 =	stileid.u32  }
0xd3: {  	s1 =	rddreg [dreg:$0x1];
	p0 =	sne.s32 s2, $0x0  }
0xd4: {  	s3 =	rddreg [dreg:$0x2];
	[bflag:$0x3] =	sbarrier.arrive $0xFFFF;
	s2 =	simm.s32 @!p0 $0x1C02  }
0xd5: {  	[timem:s3], [sflag:s2] =	dma.local @!p0 [hbm:s0], s1  }
0xd6: {  	s0 =	simm.s32 @!p0 $0x2  }
0xd7: {  	_ =	swait.ge @!p0 [sflag:s0], s1  }
0xd8: {  	s1 =	ssub.s32 @!p0 $0x0, s1;
	[sflag:s0] =	ssyncset.done @!p0 $0x0  }
0xd9: {  	[sflag:s0] =	ssyncadd.s32 @!p0 s1  }
0xda: {  	[bflag:$0x3] =	sbarrier.arrive $0xFFFF  }
0xdb: {  	_ =	shalt  }

// kernel: sparse-core-data-format-call.cloned.1.call-start
scs
called_computation_lowered:
.L_overlay_start_0:
0x0: {  	s2 =	sld [smem:$0x3FD9]  }
0x1: {  	s3 =	sld [smem:$0x3FFE];
	_ =	sdelay $0x1  }
0x2: {  	s1 =	srdreg.scid  }
0x3: {  	s0 =	sand.u32 $0x1, s1  }
0x4: {  	s18 =	sshll.u32 s0, $0xA;
	s2 =	sadd.s32 s3, s2  }
0x5: {  	s2 =	sadd.s32 s2, s18  }
0x6: {  	[smem:$0x3FC6] =	sst s2  }
0x7: {  	_ = 	snop  }
0x8: {  	s2 =	sld [smem:$0x3FD0];
	(tm) =	ssettm $0x1  }
0x9: {  	s19 =	sld [smem:$0x3FFB];
	_ =	sdelay $0x3  }
0xa: {  	_ =	strace s19  }
0xb: {  	s3 =	sld [smem:$0x3FFC];
	_ =	sdelay $0x3  }
0xc: {  	_ =	strace s3  }
0xd: {  	s3 =	sld [smem:$0x3FFD];
	_ =	sdelay $0x3  }
0xe: {  	_ =	strace s3  }
0xf: {  	_ =	strace $0x8FFFFFFF  }
0x10: {  	s20 =	sld [smem:$0x3FDB];
	_ =	sdelay $0x1  }
0x11: {  	s4 =	simm.s32 $_scs_section_size  }
0x12: {  	s5 =	simm.s32 $_size__tile_overlayer_lowered;
	s6 =	simm.s32 $_tile_overlayer_lowered  }
0x13: {  	s23 =	simm.s32 $0x1BFF;
	s22 =	sshll.u32 s6, $0x1;
	s3 =	sadd.s32 s4, s20  }
0x14: {  	s7 =	simm.s32 $0x0;
	s21 =	sshll.u32 s5, $0x1;
	s5 =	sadd.s32 s22, s3  }
0x15: {  	[timem:s7], [sflag:s23] =	dma.local [hbm:s5], s21  }
0x16: {  	_ =	swait.ge [sflag:s23], s21  }
0x17: {  	s4 =	ssub.s32 $0x0, s21;
	[sflag:s23] =	ssyncset.done $0x0  }
0x18: {  	[sflag:s23] =	ssyncadd.s32 s4;
	_ =	sdelay $0x1  }
0x19: {  	s24 =	simm.s32 $0x1B8B  }
0x1a: {  	_ =	swait.ge [sflag:s24], $0x1  }
0x1b: {  	[sflag:s24] =	ssyncset.done $0x0  }
0x1c: {  	s26 =	simm.s32 $0x1B8E;
	s25 =	sld [smem:$0x3FFE];
	[sflag:s24] =	ssyncadd.s32 $0xFFFFFFFF  }
0x1d: {  	s27 =	simm.s32 $execute0_lowered;
	[smem:$0x3FD2] =	sst s26  }
0x1e: {  	s5 =	sshll.u32 s27, $0x1;
	_ =	strace $0x80000049;
	[dreg:$0x1] =	wrdreg $0xFFFFFFFF  }
0x1f: {  	s28 =	simm.s32 $_size_execute0_lowered;
	s3 =	sadd.s32 s3, s5;
	[dreg:$0x0] =	wrdreg $0x0  }
0x20: {  	s5 =	sshll.u32 s28, $0x1;
	[dreg:$0x2] =	wrdreg s3  }
0x21: {  	[dreg:$0x3] =	wrdreg s5  }
0x22: {  	[dreg:$0x4] =	wrdreg $0xC0  }
0x23: {  	_ =	task [dreg:s7], $0x5FFFF  }
0x24: {  	[dreg:$0x1] =	wrdreg $0xFFFFFFFF  }
0x25: {  	[dreg:$0x0] =	wrdreg $0x60  }
0x26: {  	[dreg:$0x2] =	wrdreg s25  }
0x27: {  	[dreg:$0x3] =	wrdreg s2  }
0x28: {  	[dreg:$0x4] =	wrdreg $0x9  }
0x29: {  	_ =	task.clear_ibuf [dreg:s7], $0x5FFFF;
	_ =	strace $0x90000049  }
0x2a: {  	s29 =	simm.s32 $0x9;
	_ =	strace $0x8000004B  }
0x2b: {  	_ =	swait.ge [sflag:s29], $0x1  }
0x2c: {  	[sflag:s29] =	ssyncadd.s32 $0xFFFFFFFF  }
0x2d: {  	_ =	strace $0x9000004B  }
0x2e: {  	_ =	sfence  }
0x2f: {  	s30 =	sld [smem:$0x0];
	_ =	sdelay $0x2  }
0x30: {  	s31 =	sshll.u32 s1, $0xD;
	s1 =	sshrl.u32 s1, $0x2  }
0x31: {  	s3 =	sand.u32 $0x4000, s31;
	s1 =	sadd.s32 s1, s30  }
0x32: {  	s0 =	sor.u32 s3, s0;
	s1 =	sshll.u32 s1, $0x11  }
0x33: {  	s0 =	sor.u32 s1, s0  }
0x34: {  	s0 =	sadd.s32 $0x8F2B, s0  }
0x35: {  	[sflag:s0] =	ssyncadd.remote.s32 $0x1  }
0x36: {  	_ =	sfence.sel $0xFFFF  }
0x37: {  	[dreg:$0x0] =	wrdreg $0xFFFFFFFF;
	(pc) =	sbr.abs _section_cstart, $3  }
0x38: {  	[dreg:$0x1] =	wrdreg $0xFFFFFFFF  }
0x39: {  	_ =	task.clear_ibuf [dreg:s7], $0x2FFFF;
	_ =	strace $0x9FFFFFFF  }
0x3a: {  	(tm) =	ssettm $0x7FFFFFFF  }
0x3b: {  	_ =	shalt  }
tec
execute0_lowered:
.L_overlay_start_1:
0x0: {  	(tag) =	ssettag $0x1  }
0x1: {  	s0 =	srdreg.scid  }
0x2: {  	s1 =	sshll.u32 s0, $0x4  }
0x3: {  	s0 =	stileid.u32;
	s1 =	sand.u32 $0x10, s1  }
0x4: {  	s1 =	sor.u32 s0, s1  }
0x5: {  	s6 =	rddreg [dreg:$0x0];
	s4 =	simm.s32 $0x1;
	s2 =	sshll.u32 s1, $0x7  }
0x6: {  	s7 =	simm.s32 $0x2;
	s12 =	simm.s32 $0x0;
	s1 =	ssub.s32 $0x1000, s2  }
0x7: {  	s8 =	simm.s32 $0x8000;
	s13 =	simm.s32 $0x0;
	s3 =	sand.u32 $0xF80, s1  }
0x8: {  	s9 =	simm.s32 $0x0;
	s5 =	sshrl.u32 s1, $0xC;
	p0 =	sne.s32 s3, $0x0  }
.Ltmp0:
0x9: {  	s1 =	rddreg [dreg:$0x2];
	s4 =	simm.s32 @!p0 $0x0;
	(pc) =	sbr.rel .LBB1_1-.Ltmp0, $4  }
0xa: {  	s11 =	simm.s32 $0x0;
	s3 =	rddreg [dreg:$0x1];
	s5 =	sadd.s32 s4, s5  }
0xb: {  	_ =	strace $0x8000004A;
	s4 =	simm.s32 $0x1;
	s5 =	smul.u32 $0xC8, s5  }
0xc: {  	s6 =	sadd.s32 $0xA00, s6;
	s10 =	smov.u32 s2;
	[sflag:s4] =	ssyncpa.u1 $0x0  }
0xd: {  	p0 =	por $0x0, $0x0;
	[sflag:s7] =	ssyncpa.u1 $0x0;
	s7 =	sor.u32 $0x1, s5  }
.LBB1_4:
0xe: {  	s16 =	sshll.u32 s13, $0x3;
	s17 =	sand.u32 $0x78, s13  }
0xf: {  	s30 =	sand.u32 $0x7E00, s13;
	s12 =	sshll.u32 s12, $0xF;
	s16 =	sand.u32 $0xC00, s16  }
0x10: {  	[tilespmem:s15+$0x810 ss:$0x81] =	vst.msk $0xffff, v2;
	s31 =	sand.u32 $0x7, s13;
	s16 =	sor.u32 s17, s16;
	s17 =	sadd.s32 s3, s30  }
0x11: {  	[tilespmem:s15+$0x1020 ss:$0x81] =	vst.msk $0xffff, v0;
	s13 =	sshll.u32 s31, $0x12;
	s12 =	sadd.s32 s12, s17;
	s16 =	sshrl.u32 s16, $0x3  }
0x12: {  	[tilespmem:s15+$0x0 ss:$0x81] =	vst.msk $0xffff, v1;
	s13 =	sor.u32 $0x400, s13;
	s12 =	sadd.s32 s16, s12  }
0x13: {  	[hbm4b:s12+s13] =	stream.strided.scatter [tilespmem:s14], [sflag:$0x2], $0x2000, s8, s13, $0x20;
	[tilespmem:$0x8080] =	vst v63  }
.LBB1_5:
0x14: {  	s14 =	sadd.s32 $0x1, s9  }
0x15: {  	s12 =	sadd.s32 $0x1000, s10;
	s16 =	smov.u32 s10;
	p2 =	sgt.s32 s14, $0xC7  }
0x16: {  	s16 =	smov.u32 @p2 s12  }
0x17: {  	s14 =	simm.s32 @p2 $0x0;
	p2 =	sgt.s32 s16, $0xFFF  }
0x18: {  	s16 =	smov.u32 @p2 s2;
	p2 =	sne.s32 s11, s7  }
.Ltmp1:
0x19: {  	p1 =	slt.u32 s11, $0x2;
	(pc) =	sbr.rel @!p2 .LBB1_6-.Ltmp1, $4  }
0x1a: {  	s15 =	simm.s32 @!p1 $0x2  }
0x1b: {  	s13 =	smov.u32 s10;
	p0 =	por !p0, !p0;
	_ =	swait.ge @!p1 [sflag:s15], $0x2000  }
0x1c: {  	s12 =	smov.u32 s9;
	[sflag:s15] =	ssyncset.done @!p1 $0x0;
	s9 =	smov.u32 s14  }
0x1d: {  	s11 =	sadd.s32 $0x1, s11;
	[sflag:s15] =	ssyncadd.s32 @!p1 $0xFFFFE000;
	s10 =	smov.u32 s16  }
.LBB1_1:
0x1e: {  	p1 =	sge.u32 s11, s5  }
0x1f: {  	s14 =	sand.u32 @!p1 $0x1FFFFFF, s9  }
0x20: {  	s15 =	smulhi.u32 @!p1 $0x147AE15, s14;
	_ =	sdelay $0x1  }
0x21: {  	s15 =	smul.u32 @!p1 $0xC8, s15  }
0x22: {  	s16 =	sxor.u32 @!p1 $0xFFFFFFFF, s11;
	s17 =	smul.u32 @!p1 $0xC80, s10  }
0x23: {  	s31 =	sadd.s32 $0xFFFFFFFF, s11;
	s16 =	sshll.u32 @!p1 s16, $0xD;
	s14 =	ssub.s32 @!p1 s14, s15  }
0x24: {  	s15 =	sand.u32 @!p1 $0x2000, s16;
	s16 =	sadd.s32 @!p1 s6, s17;
	s14 =	sshll.u32 @!p1 s14, $0x4  }
0x25: {  	s17 =	simm.s32 @!p1 $0x6400;
	s14 =	sadd.s32 @!p1 s14, s16;
	s16 =	simm.s32 @!p1 $0x40  }
0x26: {  	[tilespmem:s15], [sflag:$0x1] =	stream.strided.gather @!p1 [hbm4b:s14+s16], $0x2000, s17, s16, $0x38;
	[tilespmem:$0x8080] =	vst v63  }
0x27: {  	p1 =	sge.u32 s31, s5  }
.Ltmp2:
0x28: {  	_ = 	snop;
	(pc) =	sbr.rel @p1 .LBB1_5-.Ltmp2, $1  }
0x29: {  	_ =	sdelay $0x3  }
0x2a: {  	s14 =	simm.s32 $0x1  }
0x2b: {  	_ =	swait.ge [sflag:s4], $0x2000;
	s14 =	simm.s32 @!p0 $0x0  }
0x2c: {  	[sflag:s4] =	ssyncset.done $0x0;
	s15 =	sshll.u32 s14, $0xD  }
0x2d: {  	[sflag:s4] =	ssyncadd.s32 $0xFFFFE000;
	s18 =	sor.u32 $0x20, s15  }
0x2e: {  	s14 =	smul.u32 $0x8100, s14;
	v3 =	vld [tilespmem:s18+$0x10]  }
0x2f: {  	s30 =	sand.u32 $0x1, s11;
	v2 =	vld [tilespmem:s18+$0xFFFFFFF0]  }
0x30: {  	s15 =	smul.u32 $0x8100, s30;
	s14 =	sshrl.u32 s14, $0x2;
	v0 =	vld [tilespmem:s18+$0x0]  }
0x31: {  	v1 =	vld [tilespmem:s18+$0xFFFFFFE0];
	s16 =	sor.u32 $0x4000, s14  }
0x32: {  	s31 =	sshrl.u32 s15, $0x2;
	s15 =	sadd.s32 $0x0, s16  }
0x33: {  	s17 =	simm.s32 $0x4;
	s18 =	sadd.s32 $0x40, s18;
	s14 =	sor.u32 $0x4000, s31;
	[tilespmem:s15+$0x1830 ss:$0x81] =	vst.msk $0xffff, v3  }
.LBB1_3:
0x34: {  	v3 =	vld [tilespmem:s18+$0x10];
	p1 =	sne.s32 s17, $0x1FC;
	[tilespmem:s15+$0x810 ss:$0x81] =	vst.msk $0xffff, v2;
	s19 =	smov.u32 s17;
	s17 =	sadd.s32 $0x4, s17  }
.Ltmp3:
0x35: {  	v2 =	vld [tilespmem:s18+$0xFFFFFFF0];
	[tilespmem:s15+$0x1020 ss:$0x81] =	vst.msk $0xffff, v0;
	(pc) =	sbr.rel @p1 .LBB1_3-.Ltmp3, $4  }
0x36: {  	v0 =	vld [tilespmem:s18+$0x0];
	[tilespmem:s15+$0x0 ss:$0x81] =	vst.msk $0xffff, v1  }
0x37: {  	s15 =	sshra.s32 s19, $0x2;
	v1 =	vld [tilespmem:s18+$0xFFFFFFE0]  }
0x38: {  	s15 =	sadd.s32 s15, s16  }
0x39: {  	s18 =	sadd.s32 $0x40, s18;
	[tilespmem:s15+$0x1830 ss:$0x81] =	vst.msk $0xffff, v3  }
.Ltmp4:
0x3a: {  	_ = 	snop;
	(pc) =	sbr.rel .LBB1_4-.Ltmp4, $1  }
0x3b: {  	_ =	sdelay $0x3  }
.LBB1_6:
0x3c: {  	_ =	sfence.sel $0x180000  }
0x3d: {  	s2 =	simm.s32 $0x1;
	[bflag:$0x0] =	sbarrier.arrive $0xFFFF  }
0x3e: {  	s31 =	simm.s32 $0x2;
	[sflag:s2] =	ssyncpa.u1 $0x1  }
0x3f: {  	[sflag:s31] =	ssyncpa.u1 $0x1  }
0x40: {  	p0 =	sne.s32 s0, $0x0;
	_ =	strace $0x9000004A  }
0x41: {  	s0 =	sadd.s32 @!p0 $0x100000, s1;
	[bflag:$0x2] =	sbarrier.arrive $0xFFFF  }
0x42: {  	[sflag:s0] =	ssyncadd.tile.s32 @!p0 $0x1;
	_ =	shalt  }
.Lfunc_end1:
_tile_overlayer_lowered:
.L_overlay_start_2:
0x43: {  	(tag) =	ssettag $0x2  }
0x44: {  	s0 =	rddreg [dreg:$0x0];
	s2 =	stileid.u32  }
0x45: {  	s1 =	rddreg [dreg:$0x1];
	p0 =	sne.s32 s2, $0x0  }
0x46: {  	s3 =	rddreg [dreg:$0x2];
	[bflag:$0x3] =	sbarrier.arrive $0xFFFF;
	s2 =	simm.s32 @!p0 $0x1C01  }
0x47: {  	[timem:s3], [sflag:s2] =	dma.local @!p0 [hbm:s0], s1  }
0x48: {  	s0 =	simm.s32 @!p0 $0x1  }
0x49: {  	_ =	swait.ge @!p0 [sflag:s0], s1  }
0x4a: {  	s1 =	ssub.s32 @!p0 $0x0, s1;
	[sflag:s0] =	ssyncset.done @!p0 $0x0  }
0x4b: {  	[sflag:s0] =	ssyncadd.s32 @!p0 s1  }
0x4c: {  	[bflag:$0x3] =	sbarrier.arrive $0xFFFF  }
0x4d: {  	_ =	shalt  }

</sc_bundles>
